<compile_context>
chip_gen: v7x
topology: tpu7x:2x2x1
jax: 0.10.2.dev20260603
libtpu: 0.0.44.dev20260713+nightly
codegen_flags: <defaults>
</compile_context>

<pallas_src>
import functools

import jax
import jax.numpy as jnp
from jax import lax
from jax.experimental import pallas as pl
from jax.experimental.pallas import tpu as pltpu
from jax.experimental.pallas import tpu_sc as plsc


def _make_sc_gather(bsz, emb, n_workers, n_chunks, chunk):
    mesh = plsc.VectorSubcoreMesh(core_axis_name="c", subcore_axis_name="s")
    rows_per_w = n_chunks * chunk
    half = n_workers // 2
    assert rows_per_w * half == bsz

    nbuf = 6

    @functools.partial(
        pl.kernel,
        mesh=mesh,
        out_type=jax.ShapeDtypeStruct((bsz, 2 * emb), jnp.float32),
        scratch_types=[
            pltpu.VMEM((n_chunks, chunk), jnp.int32),
            [pltpu.VMEM((chunk, emb), jnp.float32) for _ in range(nbuf)],
            [pltpu.SemaphoreType.DMA for _ in range(nbuf)],
            [pltpu.SemaphoreType.DMA for _ in range(nbuf)],
        ],
    )
    def sc_gather(idx_hbm, table_hbm, out_hbm, idx_v, rows, gsems, ssems):
        wid = lax.axis_index("s") * 2 + lax.axis_index("c")
        base = (wid % half) * rows_per_w
        col = (wid // half) * emb
        pltpu.sync_copy(idx_hbm.at[wid], idx_v)
        gh = [None] * nbuf
        sh = [None] * nbuf

        def store_dst(j):
            return out_hbm.at[pl.ds(base + j * chunk, chunk), pl.ds(col, emb)]

        for j in range(min(nbuf, n_chunks)):
            gh[j] = pltpu.async_copy(
                table_hbm.at[idx_v.at[j]], rows[j], gsems[j])
        for j in range(n_chunks):
            s = j % nbuf
            gh[s].wait()
            sh[s] = pltpu.async_copy(rows[s], store_dst(j), ssems[s])
            nxt = j - 1 + nbuf
            if j >= 1 and nxt < n_chunks:
                t = nxt % nbuf
                sh[t].wait()
                gh[t] = pltpu.async_copy(
                    table_hbm.at[idx_v.at[nxt]], rows[t], gsems[t])
        for j in range(max(0, n_chunks - nbuf), n_chunks):
            sh[j % nbuf].wait()

    return sc_gather


def _mlp_body(n_blocks, bb, feats_ref, sd_ref, w1ab_ref, w1c_ref, b1_ref,
              gamma_ref, beta_ref, w2_ref, b2_ref, out_ref, x_scratch):
    i = pl.program_id(0)
    xbt = lax.dot_general(
        w1ab_ref[:], feats_ref[:], (((1,), (1,)), ((), ())),
        preferred_element_type=jnp.float32,
    )
    x_scratch[:, pl.ds(i * bb, bb)] = (
        xbt + sd_ref[:] * w1c_ref[:] + b1_ref[:])

    @pl.when(i == n_blocks - 1)
    def _finish():
        x = x_scratch[:]
        mean = jnp.mean(x, axis=1, keepdims=True)
        var = jnp.mean((x - mean) ** 2, axis=1, keepdims=True)
        xn = (x - mean) * lax.rsqrt(var + 1e-5) * gamma_ref[:] + beta_ref[:]
        xn = jnp.where(xn >= 0, xn, 0.1 * xn)
        o = jnp.sum(xn * w2_ref[:], axis=0, keepdims=True) + b2_ref[:]
        out_ref[:] = jax.nn.sigmoid(o)


def kernel(idsTensor, emb_table, W1, b1, gamma, beta, W2, b2):
    bsz, _ = idsTensor.shape
    n_teams, emb = emb_table.shape
    hid = W1.shape[0]

    n_workers = 32
    chunk = 128
    n_chunks = 2 * bsz // (n_workers * chunk)

    idx = idsTensor[:, :2].astype(jnp.int32).T.reshape(
        n_workers, n_chunks, chunk)
    sc_gather = _make_sc_gather(bsz, emb, n_workers, n_chunks, chunk)
    feats = sc_gather(idx, emb_table)

    sd = idsTensor[:, 2].reshape(1, bsz)
    w1ab = W1[:, :2 * emb]
    w1c = W1[:, 2 * emb:]
    b1c = b1.reshape(hid, 1)
    gammac = gamma.reshape(hid, 1)
    betac = beta.reshape(hid, 1)
    w2c = W2.reshape(hid, 1)
    b2r = b2.reshape(1, 1)

    bb = 4096
    n_blocks = bsz // bb

    full = lambda shape: pl.BlockSpec(shape, lambda i: (0, 0))
    out = pl.pallas_call(
        functools.partial(_mlp_body, n_blocks, bb),
        grid=(n_blocks,),
        in_specs=[
            pl.BlockSpec((bb, 2 * emb), lambda i: (i, 0)),
            pl.BlockSpec((1, bb), lambda i: (0, i)),
            full((hid, 2 * emb)),
            full((hid, 1)),
            full((hid, 1)),
            full((hid, 1)),
            full((hid, 1)),
            full((hid, 1)),
            full((1, 1)),
        ],
        out_specs=pl.BlockSpec((1, bsz), lambda i: (0, 0)),
        out_shape=jax.ShapeDtypeStruct((1, bsz), jnp.float32),
        scratch_shapes=[pltpu.VMEM((hid, bsz), jnp.float32)],
        compiler_params=pltpu.CompilerParams(
            dimension_semantics=("arbitrary",)),
    )(feats, sd, w1ab, w1c, b1c, gammac, betac, w2c, b2r)
    return out.reshape(bsz, 1)

# --- scband reference (transcript-rebuilt; emitter-appended) ---
"""Pipeline reference for scband-matchup-prediction-model-7722351198212 (READ-ONLY COPY).

The authoritative reference and input builder live on the scoring server;
editing this copy changes nothing except your own understanding.
"""

import jax, jax.numpy as jnp
import numpy as np

NUM_TEAMS = 100000
EMB = 128
B = 16384
HID = 32

def setup_inputs(seed: int = 0) -> dict:
    key = jax.random.key(seed)
    k1, k2, k3, k4 = jax.random.split(key, 4)
    ids = jax.random.randint(k1, (B, 3), 0, NUM_TEAMS).astype(jnp.float32)
    emb_table = jax.random.normal(k2, (NUM_TEAMS, EMB), dtype=jnp.float32)
    fan_in1 = 2 * EMB + 1
    W1 = jax.random.normal(k3, (HID, fan_in1), dtype=jnp.float32) * np.sqrt(2.0 / fan_in1)
    b1 = jnp.zeros((HID,), dtype=jnp.float32)
    gamma = jnp.ones((HID,), dtype=jnp.float32)
    beta = jnp.zeros((HID,), dtype=jnp.float32)
    W2 = jax.random.normal(k4, (1, HID), dtype=jnp.float32) * np.sqrt(2.0 / HID)
    b2 = jnp.zeros((1,), dtype=jnp.float32)
    return {"idsTensor": ids, "emb_table": emb_table, "W1": W1, "b1": b1,
            "gamma": gamma, "beta": beta, "W2": W2, "b2": b2}

def reference(idsTensor, emb_table, W1, b1, gamma, beta, W2, b2):
    idx1 = idsTensor[:, 0].astype(jnp.int32)
    idx2 = idsTensor[:, 1].astype(jnp.int32)
    team1 = jnp.take(emb_table, idx1, axis=0)
    team2 = jnp.take(emb_table, idx2, axis=0)
    score_diff = idsTensor[:, 2:3]
    features = jnp.concatenate([team1, team2, score_diff], axis=1)
    x = features @ W1.T + b1
    # BatchNorm1d in training mode (batch statistics), dropout is identity for reference
    mean = jnp.mean(x, axis=0)
    var = jnp.var(x, axis=0)
    x = (x - mean) / jnp.sqrt(var + 1e-5) * gamma + beta
    # LeakyReLU(0.1)
    x = jnp.where(x >= 0, x, 0.1 * x)
    out = x @ W2.T + b2
    return jax.nn.sigmoid(out)

if __name__ == "__main__":
    import jax
    _d = setup_inputs()
    print(jax.jit(kernel)(*tuple(_d.values())))

</pallas_src>

<mosaic_0001>
#map = affine_map<(d0, d1) -> (0, 0, 0)>
#map1 = affine_map<(d0, d1) -> (0, 0)>
module attributes {stable_mosaic.version = 14 : i64} {
  func.func @sc_gather(%arg0: i32, %arg1: i32, %arg2: memref<32x8x128xi32, #tpu.memory_space<hbm>>, %arg3: memref<100000x128xf32, #tpu.memory_space<hbm>>, %arg4: memref<16384x256xf32, #tpu.memory_space<hbm>>, %arg5: memref<8x128xi32, #tpu.memory_space<vmem>>, %arg6: memref<128x128xf32, #tpu.memory_space<vmem>>, %arg7: memref<128x128xf32, #tpu.memory_space<vmem>>, %arg8: memref<128x128xf32, #tpu.memory_space<vmem>>, %arg9: memref<128x128xf32, #tpu.memory_space<vmem>>, %arg10: memref<128x128xf32, #tpu.memory_space<vmem>>, %arg11: memref<128x128xf32, #tpu.memory_space<vmem>>, %arg12: memref<!tpu.dma_semaphore, #tpu.memory_space<semaphore_mem>>, %arg13: memref<!tpu.dma_semaphore, #tpu.memory_space<semaphore_mem>>, %arg14: memref<!tpu.dma_semaphore, #tpu.memory_space<semaphore_mem>>, %arg15: memref<!tpu.dma_semaphore, #tpu.memory_space<semaphore_mem>>, %arg16: memref<!tpu.dma_semaphore, #tpu.memory_space<semaphore_mem>>, %arg17: memref<!tpu.dma_semaphore, #tpu.memory_space<semaphore_mem>>, %arg18: memref<!tpu.dma_semaphore, #tpu.memory_space<semaphore_mem>>, %arg19: memref<!tpu.dma_semaphore, #tpu.memory_space<semaphore_mem>>, %arg20: memref<!tpu.dma_semaphore, #tpu.memory_space<semaphore_mem>>, %arg21: memref<!tpu.dma_semaphore, #tpu.memory_space<semaphore_mem>>, %arg22: memref<!tpu.dma_semaphore, #tpu.memory_space<semaphore_mem>>, %arg23: memref<!tpu.dma_semaphore, #tpu.memory_space<semaphore_mem>>) attributes {dimension_semantics = [#tpu.dimension_semantics<core_parallel>, #tpu.dimension_semantics<subcore_parallel>], iteration_bounds = array<i64: 2, 16>, scalar_prefetch = 0 : i64, scratch_operands = 19 : i64, tpu.core_type = #tpu.core_type<sc_vector_subcore>, window_params = [{transform_indices = #map}, {transform_indices = #map1}, {transform_indices = #map1}]} {
    %mul3A = arith.constant 2 : i32
    %mul3A_0 = arith.muli %arg1, %mul3A : i32
    %add3A = arith.addi %mul3A_0, %arg0 : i32
    %jit3A = arith.constant 16 : i32
    %eq3A = arith.constant 0 : i32
    %eq3A_1 = arith.cmpi eq, %jit3A, %eq3A : i32
    %jit3A_2 = arith.constant 1 : i32
    %select_n3A = arith.select %eq3A_1, %jit3A_2, %jit3A : i32
    %rem3A = arith.remsi %add3A, %select_n3A : i32
    %ne3A = arith.constant 0 : i32
    %ne3A_3 = arith.cmpi ne, %rem3A, %ne3A : i32
    %lt3A = arith.constant 0 : i32
    %lt3A_4 = arith.cmpi slt, %rem3A, %lt3A : i32
    %lt3A_5 = arith.constant 0 : i32
    %lt3A_6 = arith.cmpi slt, %select_n3A, %lt3A_5 : i32
    %ne3A_7 = arith.xori %lt3A_4, %lt3A_6 : i1
    %and3A = arith.andi %ne3A_7, %ne3A_3 : i1
    %add3A_8 = arith.addi %rem3A, %select_n3A : i32
    %select_n3A_9 = arith.select %and3A, %add3A_8, %rem3A : i32
    %mul3A_10 = arith.constant 1024 : i32
    %mul3A_11 = arith.muli %select_n3A_9, %mul3A_10 : i32
    %jit3A_12 = arith.constant 16 : i32
    %div3A = arith.divsi %add3A, %jit3A_12 : i32
    %sign3A = arith.constant 0 : i32
    %sign3A_13 = arith.cmpi sgt, %add3A, %sign3A : i32
    %sign3A_14 = arith.extui %sign3A_13 : i1 to i32
    %sign3A_15 = arith.constant 0 : i32
    %sign3A_16 = arith.cmpi slt, %add3A, %sign3A_15 : i32
    %sign3A_17 = arith.extui %sign3A_16 : i1 to i32
    %sign3A_18 = arith.subi %sign3A_14, %sign3A_17 : i32
    %sign3A_19 = arith.constant 0 : i32
    %sign3A_20 = arith.cmpi sgt, %jit3A_12, %sign3A_19 : i32
    %sign3A_21 = arith.extui %sign3A_20 : i1 to i32
    %sign3A_22 = arith.constant 0 : i32
    %sign3A_23 = arith.cmpi slt, %jit3A_12, %sign3A_22 : i32
    %sign3A_24 = arith.extui %sign3A_23 : i1 to i32
    %sign3A_25 = arith.subi %sign3A_21, %sign3A_24 : i32
    %ne3A_26 = arith.cmpi ne, %sign3A_18, %sign3A_25 : i32
    %rem3A_27 = arith.remsi %add3A, %jit3A_12 : i32
    %ne3A_28 = arith.constant 0 : i32
    %ne3A_29 = arith.cmpi ne, %rem3A_27, %ne3A_28 : i32
    %and3A_30 = arith.andi %ne3A_26, %ne3A_29 : i1
    %sub3A = arith.constant 1 : i32
    %sub3A_31 = arith.subi %div3A, %sub3A : i32
    %select_n3A_32 = arith.select %and3A_30, %sub3A_31, %div3A : i32
    %mul3A_33 = arith.constant 128 : i32
    %mul3A_34 = arith.muli %select_n3A_32, %mul3A_33 : i32
    "tpu.region"() ({
      %run_scoped3A = tpu.sem_alloc : memref<!tpu.dma_semaphore, #tpu.memory_space<semaphore_mem>>
      %dma_start3A_193 = arith.constant 0 : i32
      %dma_start3A_194 = arith.constant 0 : i32
      %dma_start3A_195 = tpu.memref_slice %arg2[%add3A, %dma_start3A_193, %dma_start3A_194] : memref<32x8x128xi32, #tpu.memory_space<hbm>> -> memref<1x8x128xi32, #tpu.memory_space<hbm>>
      %dma_start3A_196 = tpu.memref_squeeze %dma_start3A_195 : memref<1x8x128xi32, #tpu.memory_space<hbm>> -> memref<8x128xi32, #tpu.memory_space<hbm>>
      %dma_start3A_197 = arith.constant 0 : i32
      %dma_start3A_198 = arith.constant 0 : i32
      %dma_start3A_199 = tpu.memref_slice %arg2[%add3A, %dma_start3A_197, %dma_start3A_198] : memref<32x8x128xi32, #tpu.memory_space<hbm>> -> memref<1x8x128xi32, #tpu.memory_space<hbm>>
      %dma_start3A_200 = tpu.memref_squeeze %dma_start3A_199 : memref<1x8x128xi32, #tpu.memory_space<hbm>> -> memref<8x128xi32, #tpu.memory_space<hbm>>
      tpu.enqueue_dma source(%dma_start3A_200 : memref<8x128xi32, #tpu.memory_space<hbm>>) target(%arg5 : memref<8x128xi32, #tpu.memory_space<vmem>>) target_semaphore(%run_scoped3A : memref<!tpu.dma_semaphore, #tpu.memory_space<semaphore_mem>>)
      %dma_wait3A_201 = arith.constant 0 : i32
      %dma_wait3A_202 = arith.constant 0 : i32
      %dma_wait3A_203 = tpu.memref_slice %arg2[%add3A, %dma_wait3A_201, %dma_wait3A_202] : memref<32x8x128xi32, #tpu.memory_space<hbm>> -> memref<1x8x128xi32, #tpu.memory_space<hbm>>
      %dma_wait3A_204 = tpu.memref_squeeze %dma_wait3A_203 : memref<1x8x128xi32, #tpu.memory_space<hbm>> -> memref<8x128xi32, #tpu.memory_space<hbm>>
      %dma_wait3A_205 = arith.constant 0 : i32
      %dma_wait3A_206 = arith.constant 0 : i32
      %dma_wait3A_207 = tpu.memref_slice %arg2[%add3A, %dma_wait3A_205, %dma_wait3A_206] : memref<32x8x128xi32, #tpu.memory_space<hbm>> -> memref<1x8x128xi32, #tpu.memory_space<hbm>>
      %dma_wait3A_208 = tpu.memref_squeeze %dma_wait3A_207 : memref<1x8x128xi32, #tpu.memory_space<hbm>> -> memref<8x128xi32, #tpu.memory_space<hbm>>
      tpu.wait_dma2 semaphore(%run_scoped3A : memref<!tpu.dma_semaphore, #tpu.memory_space<semaphore_mem>>) src(%dma_wait3A_208 : memref<8x128xi32, #tpu.memory_space<hbm>>) dst(%arg5 : memref<8x128xi32, #tpu.memory_space<vmem>>)
      tpu.yield
    }) : () -> ()
    %dma_start3A = arith.constant 0 : i32
    %dma_start3A_35 = arith.constant 0 : i32
    %dma_start3A_36 = tpu.memref_slice %arg5[%dma_start3A, %dma_start3A_35] : memref<8x128xi32, #tpu.memory_space<vmem>> -> memref<1x128xi32, #tpu.memory_space<vmem>>
    %dma_start3A_37 = tpu.memref_squeeze %dma_start3A_36 : memref<1x128xi32, #tpu.memory_space<vmem>> -> memref<128xi32, #tpu.memory_space<vmem>>
    %dma_start3A_38 = arith.constant 0 : i32
    %dma_start3A_39 = arith.constant 0 : i32
    %dma_start3A_40 = tpu.memref_slice %arg3[%dma_start3A_38, %dma_start3A_39] : memref<100000x128xf32, #tpu.memory_space<hbm>> -> memref<100000x128xf32, #tpu.memory_space<hbm>>
    tpu.enqueue_indirect_dma source(%dma_start3A_40 : memref<100000x128xf32, #tpu.memory_space<hbm>>) target(%arg6 : memref<128x128xf32, #tpu.memory_space<vmem>>) offsets(%dma_start3A_37 : memref<128xi32, #tpu.memory_space<vmem>>) semaphore(%arg12 : memref<!tpu.dma_semaphore, #tpu.memory_space<semaphore_mem>>)
    %dma_start3A_41 = arith.constant 1 : i32
    %dma_start3A_42 = arith.constant 0 : i32
    %dma_start3A_43 = tpu.memref_slice %arg5[%dma_start3A_41, %dma_start3A_42] : memref<8x128xi32, #tpu.memory_space<vmem>> -> memref<1x128xi32, #tpu.memory_space<vmem>>
    %dma_start3A_44 = tpu.memref_squeeze %dma_start3A_43 : memref<1x128xi32, #tpu.memory_space<vmem>> -> memref<128xi32, #tpu.memory_space<vmem>>
    %dma_start3A_45 = arith.constant 0 : i32
    %dma_start3A_46 = arith.constant 0 : i32
    %dma_start3A_47 = tpu.memref_slice %arg3[%dma_start3A_45, %dma_start3A_46] : memref<100000x128xf32, #tpu.memory_space<hbm>> -> memref<100000x128xf32, #tpu.memory_space<hbm>>
    tpu.enqueue_indirect_dma source(%dma_start3A_47 : memref<100000x128xf32, #tpu.memory_space<hbm>>) target(%arg7 : memref<128x128xf32, #tpu.memory_space<vmem>>) offsets(%dma_start3A_44 : memref<128xi32, #tpu.memory_space<vmem>>) semaphore(%arg13 : memref<!tpu.dma_semaphore, #tpu.memory_space<semaphore_mem>>)
    %dma_start3A_48 = arith.constant 2 : i32
    %dma_start3A_49 = arith.constant 0 : i32
    %dma_start3A_50 = tpu.memref_slice %arg5[%dma_start3A_48, %dma_start3A_49] : memref<8x128xi32, #tpu.memory_space<vmem>> -> memref<1x128xi32, #tpu.memory_space<vmem>>
    %dma_start3A_51 = tpu.memref_squeeze %dma_start3A_50 : memref<1x128xi32, #tpu.memory_space<vmem>> -> memref<128xi32, #tpu.memory_space<vmem>>
    %dma_start3A_52 = arith.constant 0 : i32
    %dma_start3A_53 = arith.constant 0 : i32
    %dma_start3A_54 = tpu.memref_slice %arg3[%dma_start3A_52, %dma_start3A_53] : memref<100000x128xf32, #tpu.memory_space<hbm>> -> memref<100000x128xf32, #tpu.memory_space<hbm>>
    tpu.enqueue_indirect_dma source(%dma_start3A_54 : memref<100000x128xf32, #tpu.memory_space<hbm>>) target(%arg8 : memref<128x128xf32, #tpu.memory_space<vmem>>) offsets(%dma_start3A_51 : memref<128xi32, #tpu.memory_space<vmem>>) semaphore(%arg14 : memref<!tpu.dma_semaphore, #tpu.memory_space<semaphore_mem>>)
    %dma_start3A_55 = arith.constant 3 : i32
    %dma_start3A_56 = arith.constant 0 : i32
    %dma_start3A_57 = tpu.memref_slice %arg5[%dma_start3A_55, %dma_start3A_56] : memref<8x128xi32, #tpu.memory_space<vmem>> -> memref<1x128xi32, #tpu.memory_space<vmem>>
    %dma_start3A_58 = tpu.memref_squeeze %dma_start3A_57 : memref<1x128xi32, #tpu.memory_space<vmem>> -> memref<128xi32, #tpu.memory_space<vmem>>
    %dma_start3A_59 = arith.constant 0 : i32
    %dma_start3A_60 = arith.constant 0 : i32
    %dma_start3A_61 = tpu.memref_slice %arg3[%dma_start3A_59, %dma_start3A_60] : memref<100000x128xf32, #tpu.memory_space<hbm>> -> memref<100000x128xf32, #tpu.memory_space<hbm>>
    tpu.enqueue_indirect_dma source(%dma_start3A_61 : memref<100000x128xf32, #tpu.memory_space<hbm>>) target(%arg9 : memref<128x128xf32, #tpu.memory_space<vmem>>) offsets(%dma_start3A_58 : memref<128xi32, #tpu.memory_space<vmem>>) semaphore(%arg15 : memref<!tpu.dma_semaphore, #tpu.memory_space<semaphore_mem>>)
    %dma_start3A_62 = arith.constant 4 : i32
    %dma_start3A_63 = arith.constant 0 : i32
    %dma_start3A_64 = tpu.memref_slice %arg5[%dma_start3A_62, %dma_start3A_63] : memref<8x128xi32, #tpu.memory_space<vmem>> -> memref<1x128xi32, #tpu.memory_space<vmem>>
    %dma_start3A_65 = tpu.memref_squeeze %dma_start3A_64 : memref<1x128xi32, #tpu.memory_space<vmem>> -> memref<128xi32, #tpu.memory_space<vmem>>
    %dma_start3A_66 = arith.constant 0 : i32
    %dma_start3A_67 = arith.constant 0 : i32
    %dma_start3A_68 = tpu.memref_slice %arg3[%dma_start3A_66, %dma_start3A_67] : memref<100000x128xf32, #tpu.memory_space<hbm>> -> memref<100000x128xf32, #tpu.memory_space<hbm>>
    tpu.enqueue_indirect_dma source(%dma_start3A_68 : memref<100000x128xf32, #tpu.memory_space<hbm>>) target(%arg10 : memref<128x128xf32, #tpu.memory_space<vmem>>) offsets(%dma_start3A_65 : memref<128xi32, #tpu.memory_space<vmem>>) semaphore(%arg16 : memref<!tpu.dma_semaphore, #tpu.memory_space<semaphore_mem>>)
    %dma_start3A_69 = arith.constant 5 : i32
    %dma_start3A_70 = arith.constant 0 : i32
    %dma_start3A_71 = tpu.memref_slice %arg5[%dma_start3A_69, %dma_start3A_70] : memref<8x128xi32, #tpu.memory_space<vmem>> -> memref<1x128xi32, #tpu.memory_space<vmem>>
    %dma_start3A_72 = tpu.memref_squeeze %dma_start3A_71 : memref<1x128xi32, #tpu.memory_space<vmem>> -> memref<128xi32, #tpu.memory_space<vmem>>
    %dma_start3A_73 = arith.constant 0 : i32
    %dma_start3A_74 = arith.constant 0 : i32
    %dma_start3A_75 = tpu.memref_slice %arg3[%dma_start3A_73, %dma_start3A_74] : memref<100000x128xf32, #tpu.memory_space<hbm>> -> memref<100000x128xf32, #tpu.memory_space<hbm>>
    tpu.enqueue_indirect_dma source(%dma_start3A_75 : memref<100000x128xf32, #tpu.memory_space<hbm>>) target(%arg11 : memref<128x128xf32, #tpu.memory_space<vmem>>) offsets(%dma_start3A_72 : memref<128xi32, #tpu.memory_space<vmem>>) semaphore(%arg17 : memref<!tpu.dma_semaphore, #tpu.memory_space<semaphore_mem>>)
    %dma_wait3A = arith.constant 0 : i32
    %dma_wait3A_76 = arith.constant 0 : i32
    %dma_wait3A_77 = tpu.memref_slice %arg5[%dma_wait3A, %dma_wait3A_76] : memref<8x128xi32, #tpu.memory_space<vmem>> -> memref<1x128xi32, #tpu.memory_space<vmem>>
    %dma_wait3A_78 = tpu.memref_squeeze %dma_wait3A_77 : memref<1x128xi32, #tpu.memory_space<vmem>> -> memref<128xi32, #tpu.memory_space<vmem>>
    %dma_wait3A_79 = arith.constant 0 : i32
    %dma_wait3A_80 = arith.constant 0 : i32
    %dma_wait3A_81 = tpu.memref_slice %arg3[%dma_wait3A_79, %dma_wait3A_80] : memref<100000x128xf32, #tpu.memory_space<hbm>> -> memref<100000x128xf32, #tpu.memory_space<hbm>>
    tpu.wait_indirect_dma semaphore(%arg12 : memref<!tpu.dma_semaphore, #tpu.memory_space<semaphore_mem>>) src(%dma_wait3A_81 : memref<100000x128xf32, #tpu.memory_space<hbm>>) dst(%arg6 : memref<128x128xf32, #tpu.memory_space<vmem>>)
    %add3A_82 = arith.constant 0 : i32
    %add3A_83 = arith.addi %mul3A_11, %add3A_82 : i32
    %dma_start3A_84 = tpu.memref_slice %arg4[%add3A_83, %mul3A_34] : memref<16384x256xf32, #tpu.memory_space<hbm>> -> memref<128x128xf32, #tpu.memory_space<hbm>>
    %dma_start3A_85 = tpu.memref_slice %arg4[%add3A_83, %mul3A_34] : memref<16384x256xf32, #tpu.memory_space<hbm>> -> memref<128x128xf32, #tpu.memory_space<hbm>>
    tpu.enqueue_dma source(%arg6 : memref<128x128xf32, #tpu.memory_space<vmem>>) target(%dma_start3A_85 : memref<128x128xf32, #tpu.memory_space<hbm>>) target_semaphore(%arg18 : memref<!tpu.dma_semaphore, #tpu.memory_space<semaphore_mem>>)
    %dma_wait3A_86 = arith.constant 1 : i32
    %dma_wait3A_87 = arith.constant 0 : i32
    %dma_wait3A_88 = tpu.memref_slice %arg5[%dma_wait3A_86, %dma_wait3A_87] : memref<8x128xi32, #tpu.memory_space<vmem>> -> memref<1x128xi32, #tpu.memory_space<vmem>>
    %dma_wait3A_89 = tpu.memref_squeeze %dma_wait3A_88 : memref<1x128xi32, #tpu.memory_space<vmem>> -> memref<128xi32, #tpu.memory_space<vmem>>
    %dma_wait3A_90 = arith.constant 0 : i32
    %dma_wait3A_91 = arith.constant 0 : i32
    %dma_wait3A_92 = tpu.memref_slice %arg3[%dma_wait3A_90, %dma_wait3A_91] : memref<100000x128xf32, #tpu.memory_space<hbm>> -> memref<100000x128xf32, #tpu.memory_space<hbm>>
    tpu.wait_indirect_dma semaphore(%arg13 : memref<!tpu.dma_semaphore, #tpu.memory_space<semaphore_mem>>) src(%dma_wait3A_92 : memref<100000x128xf32, #tpu.memory_space<hbm>>) dst(%arg7 : memref<128x128xf32, #tpu.memory_space<vmem>>)
    %add3A_93 = arith.constant 128 : i32
    %add3A_94 = arith.addi %mul3A_11, %add3A_93 : i32
    %dma_start3A_95 = tpu.memref_slice %arg4[%add3A_94, %mul3A_34] : memref<16384x256xf32, #tpu.memory_space<hbm>> -> memref<128x128xf32, #tpu.memory_space<hbm>>
    %dma_start3A_96 = tpu.memref_slice %arg4[%add3A_94, %mul3A_34] : memref<16384x256xf32, #tpu.memory_space<hbm>> -> memref<128x128xf32, #tpu.memory_space<hbm>>
    tpu.enqueue_dma source(%arg7 : memref<128x128xf32, #tpu.memory_space<vmem>>) target(%dma_start3A_96 : memref<128x128xf32, #tpu.memory_space<hbm>>) target_semaphore(%arg19 : memref<!tpu.dma_semaphore, #tpu.memory_space<semaphore_mem>>)
    %dma_wait3A_97 = tpu.memref_slice %arg4[%add3A_83, %mul3A_34] : memref<16384x256xf32, #tpu.memory_space<hbm>> -> memref<128x128xf32, #tpu.memory_space<hbm>>
    %dma_wait3A_98 = tpu.memref_slice %arg4[%add3A_83, %mul3A_34] : memref<16384x256xf32, #tpu.memory_space<hbm>> -> memref<128x128xf32, #tpu.memory_space<hbm>>
    tpu.wait_dma2 semaphore(%arg18 : memref<!tpu.dma_semaphore, #tpu.memory_space<semaphore_mem>>) src(%arg6 : memref<128x128xf32, #tpu.memory_space<vmem>>) dst(%dma_wait3A_98 : memref<128x128xf32, #tpu.memory_space<hbm>>)
    %dma_start3A_99 = arith.constant 6 : i32
    %dma_start3A_100 = arith.constant 0 : i32
    %dma_start3A_101 = tpu.memref_slice %arg5[%dma_start3A_99, %dma_start3A_100] : memref<8x128xi32, #tpu.memory_space<vmem>> -> memref<1x128xi32, #tpu.memory_space<vmem>>
    %dma_start3A_102 = tpu.memref_squeeze %dma_start3A_101 : memref<1x128xi32, #tpu.memory_space<vmem>> -> memref<128xi32, #tpu.memory_space<vmem>>
    %dma_start3A_103 = arith.constant 0 : i32
    %dma_start3A_104 = arith.constant 0 : i32
    %dma_start3A_105 = tpu.memref_slice %arg3[%dma_start3A_103, %dma_start3A_104] : memref<100000x128xf32, #tpu.memory_space<hbm>> -> memref<100000x128xf32, #tpu.memory_space<hbm>>
    tpu.enqueue_indirect_dma source(%dma_start3A_105 : memref<100000x128xf32, #tpu.memory_space<hbm>>) target(%arg6 : memref<128x128xf32, #tpu.memory_space<vmem>>) offsets(%dma_start3A_102 : memref<128xi32, #tpu.memory_space<vmem>>) semaphore(%arg12 : memref<!tpu.dma_semaphore, #tpu.memory_space<semaphore_mem>>)
    %dma_wait3A_106 = arith.constant 2 : i32
    %dma_wait3A_107 = arith.constant 0 : i32
    %dma_wait3A_108 = tpu.memref_slice %arg5[%dma_wait3A_106, %dma_wait3A_107] : memref<8x128xi32, #tpu.memory_space<vmem>> -> memref<1x128xi32, #tpu.memory_space<vmem>>
    %dma_wait3A_109 = tpu.memref_squeeze %dma_wait3A_108 : memref<1x128xi32, #tpu.memory_space<vmem>> -> memref<128xi32, #tpu.memory_space<vmem>>
    %dma_wait3A_110 = arith.constant 0 : i32
    %dma_wait3A_111 = arith.constant 0 : i32
    %dma_wait3A_112 = tpu.memref_slice %arg3[%dma_wait3A_110, %dma_wait3A_111] : memref<100000x128xf32, #tpu.memory_space<hbm>> -> memref<100000x128xf32, #tpu.memory_space<hbm>>
    tpu.wait_indirect_dma semaphore(%arg14 : memref<!tpu.dma_semaphore, #tpu.memory_space<semaphore_mem>>) src(%dma_wait3A_112 : memref<100000x128xf32, #tpu.memory_space<hbm>>) dst(%arg8 : memref<128x128xf32, #tpu.memory_space<vmem>>)
    %add3A_113 = arith.constant 256 : i32
    %add3A_114 = arith.addi %mul3A_11, %add3A_113 : i32
    %dma_start3A_115 = tpu.memref_slice %arg4[%add3A_114, %mul3A_34] : memref<16384x256xf32, #tpu.memory_space<hbm>> -> memref<128x128xf32, #tpu.memory_space<hbm>>
    %dma_start3A_116 = tpu.memref_slice %arg4[%add3A_114, %mul3A_34] : memref<16384x256xf32, #tpu.memory_space<hbm>> -> memref<128x128xf32, #tpu.memory_space<hbm>>
    tpu.enqueue_dma source(%arg8 : memref<128x128xf32, #tpu.memory_space<vmem>>) target(%dma_start3A_116 : memref<128x128xf32, #tpu.memory_space<hbm>>) target_semaphore(%arg20 : memref<!tpu.dma_semaphore, #tpu.memory_space<semaphore_mem>>)
    %dma_wait3A_117 = tpu.memref_slice %arg4[%add3A_94, %mul3A_34] : memref<16384x256xf32, #tpu.memory_space<hbm>> -> memref<128x128xf32, #tpu.memory_space<hbm>>
    %dma_wait3A_118 = tpu.memref_slice %arg4[%add3A_94, %mul3A_34] : memref<16384x256xf32, #tpu.memory_space<hbm>> -> memref<128x128xf32, #tpu.memory_space<hbm>>
    tpu.wait_dma2 semaphore(%arg19 : memref<!tpu.dma_semaphore, #tpu.memory_space<semaphore_mem>>) src(%arg7 : memref<128x128xf32, #tpu.memory_space<vmem>>) dst(%dma_wait3A_118 : memref<128x128xf32, #tpu.memory_space<hbm>>)
    %dma_start3A_119 = arith.constant 7 : i32
    %dma_start3A_120 = arith.constant 0 : i32
    %dma_start3A_121 = tpu.memref_slice %arg5[%dma_start3A_119, %dma_start3A_120] : memref<8x128xi32, #tpu.memory_space<vmem>> -> memref<1x128xi32, #tpu.memory_space<vmem>>
    %dma_start3A_122 = tpu.memref_squeeze %dma_start3A_121 : memref<1x128xi32, #tpu.memory_space<vmem>> -> memref<128xi32, #tpu.memory_space<vmem>>
    %dma_start3A_123 = arith.constant 0 : i32
    %dma_start3A_124 = arith.constant 0 : i32
    %dma_start3A_125 = tpu.memref_slice %arg3[%dma_start3A_123, %dma_start3A_124] : memref<100000x128xf32, #tpu.memory_space<hbm>> -> memref<100000x128xf32, #tpu.memory_space<hbm>>
    tpu.enqueue_indirect_dma source(%dma_start3A_125 : memref<100000x128xf32, #tpu.memory_space<hbm>>) target(%arg7 : memref<128x128xf32, #tpu.memory_space<vmem>>) offsets(%dma_start3A_122 : memref<128xi32, #tpu.memory_space<vmem>>) semaphore(%arg13 : memref<!tpu.dma_semaphore, #tpu.memory_space<semaphore_mem>>)
    %dma_wait3A_126 = arith.constant 3 : i32
    %dma_wait3A_127 = arith.constant 0 : i32
    %dma_wait3A_128 = tpu.memref_slice %arg5[%dma_wait3A_126, %dma_wait3A_127] : memref<8x128xi32, #tpu.memory_space<vmem>> -> memref<1x128xi32, #tpu.memory_space<vmem>>
    %dma_wait3A_129 = tpu.memref_squeeze %dma_wait3A_128 : memref<1x128xi32, #tpu.memory_space<vmem>> -> memref<128xi32, #tpu.memory_space<vmem>>
    %dma_wait3A_130 = arith.constant 0 : i32
    %dma_wait3A_131 = arith.constant 0 : i32
    %dma_wait3A_132 = tpu.memref_slice %arg3[%dma_wait3A_130, %dma_wait3A_131] : memref<100000x128xf32, #tpu.memory_space<hbm>> -> memref<100000x128xf32, #tpu.memory_space<hbm>>
    tpu.wait_indirect_dma semaphore(%arg15 : memref<!tpu.dma_semaphore, #tpu.memory_space<semaphore_mem>>) src(%dma_wait3A_132 : memref<100000x128xf32, #tpu.memory_space<hbm>>) dst(%arg9 : memref<128x128xf32, #tpu.memory_space<vmem>>)
    %add3A_133 = arith.constant 384 : i32
    %add3A_134 = arith.addi %mul3A_11, %add3A_133 : i32
    %dma_start3A_135 = tpu.memref_slice %arg4[%add3A_134, %mul3A_34] : memref<16384x256xf32, #tpu.memory_space<hbm>> -> memref<128x128xf32, #tpu.memory_space<hbm>>
    %dma_start3A_136 = tpu.memref_slice %arg4[%add3A_134, %mul3A_34] : memref<16384x256xf32, #tpu.memory_space<hbm>> -> memref<128x128xf32, #tpu.memory_space<hbm>>
    tpu.enqueue_dma source(%arg9 : memref<128x128xf32, #tpu.memory_space<vmem>>) target(%dma_start3A_136 : memref<128x128xf32, #tpu.memory_space<hbm>>) target_semaphore(%arg21 : memref<!tpu.dma_semaphore, #tpu.memory_space<semaphore_mem>>)
    %dma_wait3A_137 = arith.constant 4 : i32
    %dma_wait3A_138 = arith.constant 0 : i32
    %dma_wait3A_139 = tpu.memref_slice %arg5[%dma_wait3A_137, %dma_wait3A_138] : memref<8x128xi32, #tpu.memory_space<vmem>> -> memref<1x128xi32, #tpu.memory_space<vmem>>
    %dma_wait3A_140 = tpu.memref_squeeze %dma_wait3A_139 : memref<1x128xi32, #tpu.memory_space<vmem>> -> memref<128xi32, #tpu.memory_space<vmem>>
    %dma_wait3A_141 = arith.constant 0 : i32
    %dma_wait3A_142 = arith.constant 0 : i32
    %dma_wait3A_143 = tpu.memref_slice %arg3[%dma_wait3A_141, %dma_wait3A_142] : memref<100000x128xf32, #tpu.memory_space<hbm>> -> memref<100000x128xf32, #tpu.memory_space<hbm>>
    tpu.wait_indirect_dma semaphore(%arg16 : memref<!tpu.dma_semaphore, #tpu.memory_space<semaphore_mem>>) src(%dma_wait3A_143 : memref<100000x128xf32, #tpu.memory_space<hbm>>) dst(%arg10 : memref<128x128xf32, #tpu.memory_space<vmem>>)
    %add3A_144 = arith.constant 512 : i32
    %add3A_145 = arith.addi %mul3A_11, %add3A_144 : i32
    %dma_start3A_146 = tpu.memref_slice %arg4[%add3A_145, %mul3A_34] : memref<16384x256xf32, #tpu.memory_space<hbm>> -> memref<128x128xf32, #tpu.memory_space<hbm>>
    %dma_start3A_147 = tpu.memref_slice %arg4[%add3A_145, %mul3A_34] : memref<16384x256xf32, #tpu.memory_space<hbm>> -> memref<128x128xf32, #tpu.memory_space<hbm>>
    tpu.enqueue_dma source(%arg10 : memref<128x128xf32, #tpu.memory_space<vmem>>) target(%dma_start3A_147 : memref<128x128xf32, #tpu.memory_space<hbm>>) target_semaphore(%arg22 : memref<!tpu.dma_semaphore, #tpu.memory_space<semaphore_mem>>)
    %dma_wait3A_148 = arith.constant 5 : i32
    %dma_wait3A_149 = arith.constant 0 : i32
    %dma_wait3A_150 = tpu.memref_slice %arg5[%dma_wait3A_148, %dma_wait3A_149] : memref<8x128xi32, #tpu.memory_space<vmem>> -> memref<1x128xi32, #tpu.memory_space<vmem>>
    %dma_wait3A_151 = tpu.memref_squeeze %dma_wait3A_150 : memref<1x128xi32, #tpu.memory_space<vmem>> -> memref<128xi32, #tpu.memory_space<vmem>>
    %dma_wait3A_152 = arith.constant 0 : i32
    %dma_wait3A_153 = arith.constant 0 : i32
    %dma_wait3A_154 = tpu.memref_slice %arg3[%dma_wait3A_152, %dma_wait3A_153] : memref<100000x128xf32, #tpu.memory_space<hbm>> -> memref<100000x128xf32, #tpu.memory_space<hbm>>
    tpu.wait_indirect_dma semaphore(%arg17 : memref<!tpu.dma_semaphore, #tpu.memory_space<semaphore_mem>>) src(%dma_wait3A_154 : memref<100000x128xf32, #tpu.memory_space<hbm>>) dst(%arg11 : memref<128x128xf32, #tpu.memory_space<vmem>>)
    %add3A_155 = arith.constant 640 : i32
    %add3A_156 = arith.addi %mul3A_11, %add3A_155 : i32
    %dma_start3A_157 = tpu.memref_slice %arg4[%add3A_156, %mul3A_34] : memref<16384x256xf32, #tpu.memory_space<hbm>> -> memref<128x128xf32, #tpu.memory_space<hbm>>
    %dma_start3A_158 = tpu.memref_slice %arg4[%add3A_156, %mul3A_34] : memref<16384x256xf32, #tpu.memory_space<hbm>> -> memref<128x128xf32, #tpu.memory_space<hbm>>
    tpu.enqueue_dma source(%arg11 : memref<128x128xf32, #tpu.memory_space<vmem>>) target(%dma_start3A_158 : memref<128x128xf32, #tpu.memory_space<hbm>>) target_semaphore(%arg23 : memref<!tpu.dma_semaphore, #tpu.memory_space<semaphore_mem>>)
    %dma_wait3A_159 = arith.constant 6 : i32
    %dma_wait3A_160 = arith.constant 0 : i32
    %dma_wait3A_161 = tpu.memref_slice %arg5[%dma_wait3A_159, %dma_wait3A_160] : memref<8x128xi32, #tpu.memory_space<vmem>> -> memref<1x128xi32, #tpu.memory_space<vmem>>
    %dma_wait3A_162 = tpu.memref_squeeze %dma_wait3A_161 : memref<1x128xi32, #tpu.memory_space<vmem>> -> memref<128xi32, #tpu.memory_space<vmem>>
    %dma_wait3A_163 = arith.constant 0 : i32
    %dma_wait3A_164 = arith.constant 0 : i32
    %dma_wait3A_165 = tpu.memref_slice %arg3[%dma_wait3A_163, %dma_wait3A_164] : memref<100000x128xf32, #tpu.memory_space<hbm>> -> memref<100000x128xf32, #tpu.memory_space<hbm>>
    tpu.wait_indirect_dma semaphore(%arg12 : memref<!tpu.dma_semaphore, #tpu.memory_space<semaphore_mem>>) src(%dma_wait3A_165 : memref<100000x128xf32, #tpu.memory_space<hbm>>) dst(%arg6 : memref<128x128xf32, #tpu.memory_space<vmem>>)
    %add3A_166 = arith.constant 768 : i32
    %add3A_167 = arith.addi %mul3A_11, %add3A_166 : i32
    %dma_start3A_168 = tpu.memref_slice %arg4[%add3A_167, %mul3A_34] : memref<16384x256xf32, #tpu.memory_space<hbm>> -> memref<128x128xf32, #tpu.memory_space<hbm>>
    %dma_start3A_169 = tpu.memref_slice %arg4[%add3A_167, %mul3A_34] : memref<16384x256xf32, #tpu.memory_space<hbm>> -> memref<128x128xf32, #tpu.memory_space<hbm>>
    tpu.enqueue_dma source(%arg6 : memref<128x128xf32, #tpu.memory_space<vmem>>) target(%dma_start3A_169 : memref<128x128xf32, #tpu.memory_space<hbm>>) target_semaphore(%arg18 : memref<!tpu.dma_semaphore, #tpu.memory_space<semaphore_mem>>)
    %dma_wait3A_170 = arith.constant 7 : i32
    %dma_wait3A_171 = arith.constant 0 : i32
    %dma_wait3A_172 = tpu.memref_slice %arg5[%dma_wait3A_170, %dma_wait3A_171] : memref<8x128xi32, #tpu.memory_space<vmem>> -> memref<1x128xi32, #tpu.memory_space<vmem>>
    %dma_wait3A_173 = tpu.memref_squeeze %dma_wait3A_172 : memref<1x128xi32, #tpu.memory_space<vmem>> -> memref<128xi32, #tpu.memory_space<vmem>>
    %dma_wait3A_174 = arith.constant 0 : i32
    %dma_wait3A_175 = arith.constant 0 : i32
    %dma_wait3A_176 = tpu.memref_slice %arg3[%dma_wait3A_174, %dma_wait3A_175] : memref<100000x128xf32, #tpu.memory_space<hbm>> -> memref<100000x128xf32, #tpu.memory_space<hbm>>
    tpu.wait_indirect_dma semaphore(%arg13 : memref<!tpu.dma_semaphore, #tpu.memory_space<semaphore_mem>>) src(%dma_wait3A_176 : memref<100000x128xf32, #tpu.memory_space<hbm>>) dst(%arg7 : memref<128x128xf32, #tpu.memory_space<vmem>>)
    %add3A_177 = arith.constant 896 : i32
    %add3A_178 = arith.addi %mul3A_11, %add3A_177 : i32
    %dma_start3A_179 = tpu.memref_slice %arg4[%add3A_178, %mul3A_34] : memref<16384x256xf32, #tpu.memory_space<hbm>> -> memref<128x128xf32, #tpu.memory_space<hbm>>
    %dma_start3A_180 = tpu.memref_slice %arg4[%add3A_178, %mul3A_34] : memref<16384x256xf32, #tpu.memory_space<hbm>> -> memref<128x128xf32, #tpu.memory_space<hbm>>
    tpu.enqueue_dma source(%arg7 : memref<128x128xf32, #tpu.memory_space<vmem>>) target(%dma_start3A_180 : memref<128x128xf32, #tpu.memory_space<hbm>>) target_semaphore(%arg19 : memref<!tpu.dma_semaphore, #tpu.memory_space<semaphore_mem>>)
    %dma_wait3A_181 = tpu.memref_slice %arg4[%add3A_114, %mul3A_34] : memref<16384x256xf32, #tpu.memory_space<hbm>> -> memref<128x128xf32, #tpu.memory_space<hbm>>
    %dma_wait3A_182 = tpu.memref_slice %arg4[%add3A_114, %mul3A_34] : memref<16384x256xf32, #tpu.memory_space<hbm>> -> memref<128x128xf32, #tpu.memory_space<hbm>>
    tpu.wait_dma2 semaphore(%arg20 : memref<!tpu.dma_semaphore, #tpu.memory_space<semaphore_mem>>) src(%arg8 : memref<128x128xf32, #tpu.memory_space<vmem>>) dst(%dma_wait3A_182 : memref<128x128xf32, #tpu.memory_space<hbm>>)
    %dma_wait3A_183 = tpu.memref_slice %arg4[%add3A_134, %mul3A_34] : memref<16384x256xf32, #tpu.memory_space<hbm>> -> memref<128x128xf32, #tpu.memory_space<hbm>>
    %dma_wait3A_184 = tpu.memref_slice %arg4[%add3A_134, %mul3A_34] : memref<16384x256xf32, #tpu.memory_space<hbm>> -> memref<128x128xf32, #tpu.memory_space<hbm>>
    tpu.wait_dma2 semaphore(%arg21 : memref<!tpu.dma_semaphore, #tpu.memory_space<semaphore_mem>>) src(%arg9 : memref<128x128xf32, #tpu.memory_space<vmem>>) dst(%dma_wait3A_184 : memref<128x128xf32, #tpu.memory_space<hbm>>)
    %dma_wait3A_185 = tpu.memref_slice %arg4[%add3A_145, %mul3A_34] : memref<16384x256xf32, #tpu.memory_space<hbm>> -> memref<128x128xf32, #tpu.memory_space<hbm>>
    %dma_wait3A_186 = tpu.memref_slice %arg4[%add3A_145, %mul3A_34] : memref<16384x256xf32, #tpu.memory_space<hbm>> -> memref<128x128xf32, #tpu.memory_space<hbm>>
    tpu.wait_dma2 semaphore(%arg22 : memref<!tpu.dma_semaphore, #tpu.memory_space<semaphore_mem>>) src(%arg10 : memref<128x128xf32, #tpu.memory_space<vmem>>) dst(%dma_wait3A_186 : memref<128x128xf32, #tpu.memory_space<hbm>>)
    %dma_wait3A_187 = tpu.memref_slice %arg4[%add3A_156, %mul3A_34] : memref<16384x256xf32, #tpu.memory_space<hbm>> -> memref<128x128xf32, #tpu.memory_space<hbm>>
    %dma_wait3A_188 = tpu.memref_slice %arg4[%add3A_156, %mul3A_34] : memref<16384x256xf32, #tpu.memory_space<hbm>> -> memref<128x128xf32, #tpu.memory_space<hbm>>
    tpu.wait_dma2 semaphore(%arg23 : memref<!tpu.dma_semaphore, #tpu.memory_space<semaphore_mem>>) src(%arg11 : memref<128x128xf32, #tpu.memory_space<vmem>>) dst(%dma_wait3A_188 : memref<128x128xf32, #tpu.memory_space<hbm>>)
    %dma_wait3A_189 = tpu.memref_slice %arg4[%add3A_167, %mul3A_34] : memref<16384x256xf32, #tpu.memory_space<hbm>> -> memref<128x128xf32, #tpu.memory_space<hbm>>
    %dma_wait3A_190 = tpu.memref_slice %arg4[%add3A_167, %mul3A_34] : memref<16384x256xf32, #tpu.memory_space<hbm>> -> memref<128x128xf32, #tpu.memory_space<hbm>>
    tpu.wait_dma2 semaphore(%arg18 : memref<!tpu.dma_semaphore, #tpu.memory_space<semaphore_mem>>) src(%arg6 : memref<128x128xf32, #tpu.memory_space<vmem>>) dst(%dma_wait3A_190 : memref<128x128xf32, #tpu.memory_space<hbm>>)
    %dma_wait3A_191 = tpu.memref_slice %arg4[%add3A_178, %mul3A_34] : memref<16384x256xf32, #tpu.memory_space<hbm>> -> memref<128x128xf32, #tpu.memory_space<hbm>>
    %dma_wait3A_192 = tpu.memref_slice %arg4[%add3A_178, %mul3A_34] : memref<16384x256xf32, #tpu.memory_space<hbm>> -> memref<128x128xf32, #tpu.memory_space<hbm>>
    tpu.wait_dma2 semaphore(%arg19 : memref<!tpu.dma_semaphore, #tpu.memory_space<semaphore_mem>>) src(%arg7 : memref<128x128xf32, #tpu.memory_space<vmem>>) dst(%dma_wait3A_192 : memref<128x128xf32, #tpu.memory_space<hbm>>)
    return
  }
}

module attributes {stable_mosaic.version = 14 : i64} {
  func.func @_mlp_body(%arg0: i32, %arg1: memref<4096x256xf32, #tpu.memory_space<vmem>>, %arg2: memref<1x4096xf32, #tpu.memory_space<vmem>>, %arg3: memref<32x256xf32, #tpu.memory_space<vmem>>, %arg4: memref<32x1xf32, #tpu.memory_space<vmem>>, %arg5: memref<32x1xf32, #tpu.memory_space<vmem>>, %arg6: memref<32x1xf32, #tpu.memory_space<vmem>>, %arg7: memref<32x1xf32, #tpu.memory_space<vmem>>, %arg8: memref<32x1xf32, #tpu.memory_space<vmem>>, %arg9: memref<1x1xf32, #tpu.memory_space<vmem>>, %arg10: memref<1x16384xf32, #tpu.memory_space<vmem>>, %arg11: memref<32x16384xf32, #tpu.memory_space<vmem>>) attributes {dimension_semantics = [#tpu.dimension_semantics<arbitrary>], iteration_bounds = array<i64: 4>, scalar_prefetch = 0 : i64, scratch_operands = 1 : i64, tpu.core_type = #tpu.core_type<tc>, window_params = [{transform_indices = @transform_0, window_bounds = array<i64: 4096, 256>}, {transform_indices = @transform_1, window_bounds = array<i64: 1, 4096>}, {pipeline_mode = #tpu.pipeline_mode<synchronous>, transform_indices = @transform_2, window_bounds = array<i64: 32, 256>}, {pipeline_mode = #tpu.pipeline_mode<synchronous>, transform_indices = @transform_3, window_bounds = array<i64: 32, 1>}, {pipeline_mode = #tpu.pipeline_mode<synchronous>, transform_indices = @transform_4, window_bounds = array<i64: 32, 1>}, {pipeline_mode = #tpu.pipeline_mode<synchronous>, transform_indices = @transform_5, window_bounds = array<i64: 32, 1>}, {pipeline_mode = #tpu.pipeline_mode<synchronous>, transform_indices = @transform_6, window_bounds = array<i64: 32, 1>}, {pipeline_mode = #tpu.pipeline_mode<synchronous>, transform_indices = @transform_7, window_bounds = array<i64: 32, 1>}, {pipeline_mode = #tpu.pipeline_mode<synchronous>, transform_indices = @transform_8, window_bounds = array<i64: 1, 1>}, {pipeline_mode = #tpu.pipeline_mode<synchronous>, transform_indices = @transform_9, window_bounds = array<i64: 1, 16384>}]} {
    %get3A = arith.constant 0 : index
    %get3A_0 = arith.constant 0 : index
    %get3A_1 = vector.load %arg3[%get3A, %get3A_0] : memref<32x256xf32, #tpu.memory_space<vmem>>, vector<32x256xf32>
    %get3A_2 = arith.constant 0 : index
    %get3A_3 = arith.constant 0 : index
    %get3A_4 = vector.load %arg1[%get3A_2, %get3A_3] : memref<4096x256xf32, #tpu.memory_space<vmem>>, vector<4096x256xf32>
    %dot_general3A = arith.constant dense<0.000000e+00> : vector<32x4096xf32>
    %dot_general3A_5 = tpu.matmul %get3A_1, %get3A_4, %dot_general3A {dimension_numbers = #tpu.dot_dimension_numbers<[1], [1], [0], [0], [0, 0, 1, 0], [], []>, transpose_lhs_hint = false} : vector<32x256xf32>, vector<4096x256xf32>, vector<32x4096xf32> -> vector<32x4096xf32>
    %get3A_6 = arith.constant 0 : index
    %get3A_7 = arith.constant 0 : index
    %get3A_8 = vector.load %arg2[%get3A_6, %get3A_7] : memref<1x4096xf32, #tpu.memory_space<vmem>>, vector<1x4096xf32>
    %get3A_9 = arith.constant 0 : index
    %get3A_10 = arith.constant 0 : index
    %get3A_11 = vector.load %arg4[%get3A_9, %get3A_10] : memref<32x1xf32, #tpu.memory_space<vmem>>, vector<32x1xf32>
    %mul3A = vector.broadcast %get3A_8 : vector<1x4096xf32> to vector<32x4096xf32>
    %mul3A_12 = vector.broadcast %get3A_11 : vector<32x1xf32> to vector<32x4096xf32>
    %mul3A_13 = arith.mulf %mul3A, %mul3A_12 : vector<32x4096xf32>
    %add3A = arith.addf %dot_general3A_5, %mul3A_13 : vector<32x4096xf32>
    %get3A_14 = arith.constant 0 : index
    %get3A_15 = arith.constant 0 : index
    %get3A_16 = vector.load %arg5[%get3A_14, %get3A_15] : memref<32x1xf32, #tpu.memory_space<vmem>>, vector<32x1xf32>
    %add3A_17 = vector.broadcast %get3A_16 : vector<32x1xf32> to vector<32x4096xf32>
    %add3A_18 = arith.addf %add3A, %add3A_17 : vector<32x4096xf32>
    %mul3A_19 = arith.constant 4096 : i32
    %mul3A_20 = arith.muli %arg0, %mul3A_19 : i32
    %swap3A = arith.constant 0 : index
    %swap3A_21 = arith.index_cast %mul3A_20 : i32 to index
    %swap3A_22 = vector.load %arg11[%swap3A, %swap3A_21] : memref<32x16384xf32, #tpu.memory_space<vmem>>, vector<32x4096xf32>
    tpu.vector_store %arg11[%swap3A, %swap3A_21], %add3A_18 {strides = array<i32>} : memref<32x16384xf32, #tpu.memory_space<vmem>>, vector<32x4096xf32>,
    %eq3A = arith.constant 3 : i32
    %eq3A_23 = arith.cmpi eq, %arg0, %eq3A : i32
    %convert_element_type3A = arith.extui %eq3A_23 : i1 to i32
    %cond3A = arith.constant 0 : i32
    %cond3A_24 = arith.cmpi ne, %convert_element_type3A, %cond3A : i32
    scf.if %cond3A_24 {
      %get3A_25 = arith.constant 0 : index
      %get3A_26 = arith.constant 0 : index
      %get3A_27 = vector.load %arg11[%get3A_25, %get3A_26] : memref<32x16384xf32, #tpu.memory_space<vmem>>, vector<32x16384xf32>
      %reduce_sum3A = arith.constant dense<0.000000e+00> : vector<32xf32>
      %reduce_sum3A_28 = vector.multi_reduction <add>, %get3A_27, %reduce_sum3A [1] : vector<32x16384xf32> to vector<32xf32>
      %broadcast_in_dim3A = vector.shape_cast %reduce_sum3A_28 : vector<32xf32> to vector<32x1xf32>
      %div3A = arith.constant 1.638400e+04 : f32
      %div3A_29 = vector.broadcast %div3A : f32 to vector<32x1xf32>
      %div3A_30 = arith.divf %broadcast_in_dim3A, %div3A_29 : vector<32x1xf32>
      %sub3A = vector.broadcast %div3A_30 : vector<32x1xf32> to vector<32x16384xf32>
      %sub3A_31 = arith.subf %get3A_27, %sub3A : vector<32x16384xf32>
      %integer_pow3A = arith.mulf %sub3A_31, %sub3A_31 : vector<32x16384xf32>
      %reduce_sum3A_32 = arith.constant dense<0.000000e+00> : vector<32xf32>
      %reduce_sum3A_33 = vector.multi_reduction <add>, %integer_pow3A, %reduce_sum3A_32 [1] : vector<32x16384xf32> to vector<32xf32>
      %broadcast_in_dim3A_34 = vector.shape_cast %reduce_sum3A_33 : vector<32xf32> to vector<32x1xf32>
      %div3A_35 = arith.constant 1.638400e+04 : f32
      %div3A_36 = vector.broadcast %div3A_35 : f32 to vector<32x1xf32>
      %div3A_37 = arith.divf %broadcast_in_dim3A_34, %div3A_36 : vector<32x1xf32>
      %sub3A_38 = vector.broadcast %div3A_30 : vector<32x1xf32> to vector<32x16384xf32>
      %sub3A_39 = arith.subf %get3A_27, %sub3A_38 : vector<32x16384xf32>
      %add3A_40 = arith.constant 9.99999974E-6 : f32
      %add3A_41 = vector.broadcast %add3A_40 : f32 to vector<32x1xf32>
      %add3A_42 = arith.addf %div3A_37, %add3A_41 : vector<32x1xf32>
      %rsqrt3A = math.rsqrt %add3A_42 : vector<32x1xf32>
      %mul3A_43 = vector.broadcast %rsqrt3A : vector<32x1xf32> to vector<32x16384xf32>
      %mul3A_44 = arith.mulf %sub3A_39, %mul3A_43 : vector<32x16384xf32>
      %get3A_45 = arith.constant 0 : index
      %get3A_46 = arith.constant 0 : index
      %get3A_47 = vector.load %arg6[%get3A_45, %get3A_46] : memref<32x1xf32, #tpu.memory_space<vmem>>, vector<32x1xf32>
      %mul3A_48 = vector.broadcast %get3A_47 : vector<32x1xf32> to vector<32x16384xf32>
      %mul3A_49 = arith.mulf %mul3A_44, %mul3A_48 : vector<32x16384xf32>
      %get3A_50 = arith.constant 0 : index
      %get3A_51 = arith.constant 0 : index
      %get3A_52 = vector.load %arg7[%get3A_50, %get3A_51] : memref<32x1xf32, #tpu.memory_space<vmem>>, vector<32x1xf32>
      %add3A_53 = vector.broadcast %get3A_52 : vector<32x1xf32> to vector<32x16384xf32>
      %add3A_54 = arith.addf %mul3A_49, %add3A_53 : vector<32x16384xf32>
      %ge3A = arith.constant 0.000000e+00 : f32
      %ge3A_55 = vector.broadcast %ge3A : f32 to vector<32x16384xf32>
      %ge3A_56 = arith.cmpf oge, %add3A_54, %ge3A_55 : vector<32x16384xf32>
      %mul3A_57 = arith.constant 1.000000e-01 : f32
      %mul3A_58 = vector.broadcast %mul3A_57 : f32 to vector<32x16384xf32>
      %mul3A_59 = arith.mulf %mul3A_58, %add3A_54 : vector<32x16384xf32>
      %select_n3A = arith.select %ge3A_56, %add3A_54, %mul3A_59 : vector<32x16384xi1>, vector<32x16384xf32>
      %get3A_60 = arith.constant 0 : index
      %get3A_61 = arith.constant 0 : index
      %get3A_62 = vector.load %arg8[%get3A_60, %get3A_61] : memref<32x1xf32, #tpu.memory_space<vmem>>, vector<32x1xf32>
      %mul3A_63 = vector.broadcast %get3A_62 : vector<32x1xf32> to vector<32x16384xf32>
      %mul3A_64 = arith.mulf %select_n3A, %mul3A_63 : vector<32x16384xf32>
      %reduce_sum3A_65 = arith.constant dense<0.000000e+00> : vector<16384xf32>
      %reduce_sum3A_66 = vector.multi_reduction <add>, %mul3A_64, %reduce_sum3A_65 [0] : vector<32x16384xf32> to vector<16384xf32>
      %broadcast_in_dim3A_67 = vector.shape_cast %reduce_sum3A_66 : vector<16384xf32> to vector<1x16384xf32>
      %get3A_68 = arith.constant 0 : index
      %get3A_69 = arith.constant 0 : index
      %get3A_70 = vector.load %arg9[%get3A_68, %get3A_69] : memref<1x1xf32, #tpu.memory_space<vmem>>, vector<1x1xf32>
      %add3A_71 = vector.broadcast %get3A_70 : vector<1x1xf32> to vector<1x16384xf32>
      %add3A_72 = arith.addf %broadcast_in_dim3A_67, %add3A_71 : vector<1x16384xf32>
      %logistic3A = arith.negf %add3A_72 : vector<1x16384xf32>
      %logistic3A_73 = math.exp %logistic3A : vector<1x16384xf32>
      %logistic3A_74 = arith.constant 1.000000e+00 : f32
      %logistic3A_75 = vector.broadcast %logistic3A_74 : f32 to vector<1x16384xf32>
      %logistic3A_76 = arith.addf %logistic3A_75, %logistic3A_73 : vector<1x16384xf32>
      %logistic3A_77 = arith.divf %logistic3A_75, %logistic3A_76 : vector<1x16384xf32>
      %swap3A_78 = arith.constant 0 : index
      %swap3A_79 = arith.constant 0 : index
      %swap3A_80 = vector.load %arg10[%swap3A_78, %swap3A_79] : memref<1x16384xf32, #tpu.memory_space<vmem>>, vector<1x16384xf32>
      tpu.vector_store %arg10[%swap3A_78, %swap3A_79], %logistic3A_77 {strides = array<i32>} : memref<1x16384xf32, #tpu.memory_space<vmem>>, vector<1x16384xf32>,
    } else {
    }
    return
  }
  func.func @transform_0(%arg0: i32) -> (i32, i32) {
    %c0_i32 = arith.constant 0 : i32
    %c0_i32_0 = arith.constant 0 : i32
    return %arg0, %c0_i32 : i32, i32
  }
  func.func @transform_1(%arg0: i32) -> (i32, i32) {
    %c0_i32 = arith.constant 0 : i32
    %c0_i32_0 = arith.constant 0 : i32
    return %c0_i32, %arg0 : i32, i32
  }
  func.func @transform_2(%arg0: i32) -> (i32, i32) {
    %c0_i32 = arith.constant 0 : i32
    %c0_i32_0 = arith.constant 0 : i32
    %c0_i32_1 = arith.constant 0 : i32
    return %c0_i32, %c0_i32_0 : i32, i32
  }
  func.func @transform_3(%arg0: i32) -> (i32, i32) {
    %c0_i32 = arith.constant 0 : i32
    %c0_i32_0 = arith.constant 0 : i32
    %c0_i32_1 = arith.constant 0 : i32
    return %c0_i32, %c0_i32_0 : i32, i32
  }
  func.func @transform_4(%arg0: i32) -> (i32, i32) {
    %c0_i32 = arith.constant 0 : i32
    %c0_i32_0 = arith.constant 0 : i32
    %c0_i32_1 = arith.constant 0 : i32
    return %c0_i32, %c0_i32_0 : i32, i32
  }
  func.func @transform_5(%arg0: i32) -> (i32, i32) {
    %c0_i32 = arith.constant 0 : i32
    %c0_i32_0 = arith.constant 0 : i32
    %c0_i32_1 = arith.constant 0 : i32
    return %c0_i32, %c0_i32_0 : i32, i32
  }
  func.func @transform_6(%arg0: i32) -> (i32, i32) {
    %c0_i32 = arith.constant 0 : i32
    %c0_i32_0 = arith.constant 0 : i32
    %c0_i32_1 = arith.constant 0 : i32
    return %c0_i32, %c0_i32_0 : i32, i32
  }
  func.func @transform_7(%arg0: i32) -> (i32, i32) {
    %c0_i32 = arith.constant 0 : i32
    %c0_i32_0 = arith.constant 0 : i32
    %c0_i32_1 = arith.constant 0 : i32
    return %c0_i32, %c0_i32_0 : i32, i32
  }
  func.func @transform_8(%arg0: i32) -> (i32, i32) {
    %c0_i32 = arith.constant 0 : i32
    %c0_i32_0 = arith.constant 0 : i32
    %c0_i32_1 = arith.constant 0 : i32
    return %c0_i32, %c0_i32_0 : i32, i32
  }
  func.func @transform_9(%arg0: i32) -> (i32, i32) {
    %c0_i32 = arith.constant 0 : i32
    %c0_i32_0 = arith.constant 0 : i32
    %c0_i32_1 = arith.constant 0 : i32
    return %c0_i32, %c0_i32_0 : i32, i32
  }
}

</mosaic_0001>

<sc_bundles>
// kernel: kernel.4.cloned.1.call-start
scs
__scs_entry_jumppad:
0x0: {  	(pc) =	sbr.rel $0x88, $3  }
0x1: {  	(tag) =	ssettag $0x0;
	lr =	simm.s32 $0x1  }
0x2: {  	[smem:$0x3F99] =	sst lr;
	_ =	strace $0xD0000000  }
0x3: {  	_ = 	snop  }
0x4: {  	_ = 	snop  }
0x5: {  	_ = 	snop  }
0x6: {  	_ = 	snop  }
0x7: {  	_ = 	snop  }
__scs_overlays_trampoline_lowered:
0x8: {  	[smem:$0x3FA8] =	sst s0  }
0x9: {  	[smem:$0x3FA9] =	sst s1  }
0xa: {  	[smem:$0x3FAA] =	sst s2  }
0xb: {  	[smem:$0x3FAB] =	sst s3  }
0xc: {  	[smem:$0x3FAC] =	sst s4  }
0xd: {  	[smem:$0x3FAD] =	sst s5  }
0xe: {  	[smem:$0x3FAE] =	sst s6  }
0xf: {  	[smem:$0x3FAF] =	sst s7  }
0x10: {  	[smem:$0x3FB0] =	sst s8  }
0x11: {  	[smem:$0x3FB1] =	sst s9;
	s0 =	simm.s32 @!p0 $0x0  }
0x12: {  	s1 =	sld [smem:$0x3F97];
	s0 =	simm.s32 @p0 $0x1  }
0x13: {  	[smem:$0x3FB2] =	sst s0;
	s0 =	simm.s32 @!p1 $0x0  }
0x14: {  	s2 =	sld [smem:$0x3F96];
	s0 =	simm.s32 @p1 $0x1  }
0x15: {  	[smem:$0x3FB3] =	sst s0;
	s0 =	simm.s32 @!p2 $0x0  }
0x16: {  	s3 =	sld [smem:$0x3FDB];
	s0 =	simm.s32 @p2 $0x1  }
0x17: {  	s4 =	simm.s32 $0x1BF5;
	[smem:$0x3FB5] =	sst s0  }
0x18: {  	s0 =	sld [smem:$0x3F98];
	_ =	swait.ge [sflag:s4], $0x0  }
0x19: {  	s7 =	sld [smem:$0x3F99]  }
0x1a: {  	s8 =	sadd.s32 $0xFFFFE003, lr  }
0x1b: {  	s9 =	sadd.s32 $0xFFFFFEF7, lr;
	s5 =	simm.s32 $0xFFFFFFFF;
	p2 =	slt.u32 s8, $0xFFFFF086  }
0x1c: {  	p1 =	slt.u32 s9, $0xF7A;
	s5 =	simm.s32 @!p2 $0x0  }
0x1d: {  	s5 =	simm.s32 @p1 $0x1;
	p0 =	seq.s32 s7, s2  }
0x1e: {  	s7 =	smul.u32 @!p0 $0xF7A, s2;
	p2 =	seq.s32 @!p0 s5, $0x0  }
0x1f: {  	s9 =	smul.u32 $0xF7A, s1;
	s8 =	simm.s32 @!p0 $0x1BF5;
	p2 =	por !p2, p0  }
0x20: {  	[sflag:s8] =	ssyncset.s32 @!p0 $0xFFFFF086;
	s6 =	sadd.s32 @!p0 s3, s7;
	s7 =	simm.s32 @!p0 $0x108  }
0x21: {  	s3 =	sadd.s32 s3, s9;
	s6 =	sadd.s32 @!p0 $0x88, s6;
	s7 =	simm.s32 @p2 $0x1082  }
0x22: {  	[simem:s7], [sflag:s8] =	dma.local @!p0 [hbm:s6], $0xF7A  }
0x23: {  	s9 =	sor.u32 $0xD0000000, s2;
	s6 =	simm.s32 $0x108;
	_ =	swait.ge @!p0 [sflag:s8], $0x0  }
0x24: {  	s3 =	sadd.s32 $0x88, s3;
	s6 =	simm.s32 @!p1 $0x1082;
	[sflag:s4] =	ssyncset.s32 $0xFFFFF086  }
0x25: {  	[simem:s6], [sflag:s4] =	dma.local [hbm:s3], $0xF7A  }
0x26: {  	[smem:$0x3F99] =	sst s1;
	(tag) =	ssettag s2;
	_ =	strace s9  }
0x27: {  	s1 =	sld [smem:$0x3FA9]  }
0x28: {  	s2 =	sld [smem:$0x3FAA]  }
0x29: {  	s4 =	sld [smem:$0x3FAC]  }
0x2a: {  	p0 =	seq.s32 s5, $0x0;
	s5 =	sld [smem:$0x3FAD]  }
0x2b: {  	s6 =	sld [smem:$0x3FAE]  }
0x2c: {  	s7 =	sld [smem:$0x3FAF]  }
0x2d: {  	s3 =	simm.s32 $0x108;
	s8 =	sld [smem:$0x3FB0]  }
0x2e: {  	s3 =	simm.s32 @!p0 $0x1082;
	s9 =	sld [smem:$0x3FB1]  }
0x2f: {  	lr =	sadd.s32 s0, s3;
	s0 =	sld [smem:$0x3FA8]  }
0x30: {  	s3 =	sld [smem:$0x3FAB]  }
0x31: {  	[smem:$0x3FB4] =	sst s10  }
0x32: {  	s10 =	sld [smem:$0x3FB2];
	_ =	sdelay $0x3  }
0x33: {  	p0 =	seq.s32 s10, $0x1;
	s10 =	sld [smem:$0x3FB4];
	_ =	sdelay $0x3  }
0x34: {  	[smem:$0x3FB4] =	sst s10  }
0x35: {  	s10 =	sld [smem:$0x3FB3];
	_ =	sdelay $0x3  }
0x36: {  	p1 =	seq.s32 s10, $0x1;
	s10 =	sld [smem:$0x3FB4];
	_ =	sdelay $0x3  }
0x37: {  	[smem:$0x3FB4] =	sst s10  }
0x38: {  	s10 =	sld [smem:$0x3FB5]  }
0x39: {  	_ = 	snop;
	(pc) =	sbr.ind lr, $3  }
0x3a: {  	_ = 	snop  }
0x3b: {  	_ = 	snop  }
0x3c: {  	p2 =	seq.s32 s10, $0x1;
	s10 =	sld [smem:$0x3FB4]  }
0x3d: {  	_ =	shalt  }
0x3e: {  	_ =	shalt  }
0x3f: {  	_ =	shalt  }
0x40: {  	_ =	shalt  }
0x41: {  	_ =	shalt  }
0x42: {  	_ =	shalt  }
0x43: {  	_ =	shalt  }
0x44: {  	_ =	shalt  }
0x45: {  	_ =	shalt  }
0x46: {  	_ =	shalt  }
0x47: {  	_ =	shalt  }
0x48: {  	_ =	shalt  }
0x49: {  	_ =	shalt  }
0x4a: {  	_ =	shalt  }
0x4b: {  	_ =	shalt  }
0x4c: {  	_ =	shalt  }
0x4d: {  	_ =	shalt  }
0x4e: {  	_ =	shalt  }
0x4f: {  	_ =	shalt  }
0x50: {  	_ =	shalt  }
0x51: {  	_ =	shalt  }
0x52: {  	_ =	shalt  }
0x53: {  	_ =	shalt  }
0x54: {  	_ =	shalt  }
0x55: {  	_ =	shalt  }
0x56: {  	_ =	shalt  }
0x57: {  	_ =	shalt  }
0x58: {  	_ =	shalt  }
0x59: {  	_ =	shalt  }
0x5a: {  	_ =	shalt  }
0x5b: {  	_ =	shalt  }
0x5c: {  	_ =	shalt  }
0x5d: {  	_ =	shalt  }
0x5e: {  	_ =	shalt  }
0x5f: {  	_ =	shalt  }
0x60: {  	_ =	shalt  }
0x61: {  	_ =	shalt  }
0x62: {  	_ =	shalt  }
0x63: {  	_ =	shalt  }
0x64: {  	_ =	shalt  }
0x65: {  	_ =	shalt  }
0x66: {  	_ =	shalt  }
0x67: {  	_ =	shalt  }
0x68: {  	_ =	shalt  }
0x69: {  	_ =	shalt  }
0x6a: {  	_ =	shalt  }
0x6b: {  	_ =	shalt  }
0x6c: {  	_ =	shalt  }
0x6d: {  	_ =	shalt  }
0x6e: {  	_ =	shalt  }
0x6f: {  	_ =	shalt  }
0x70: {  	_ =	shalt  }
0x71: {  	_ =	shalt  }
0x72: {  	_ =	shalt  }
0x73: {  	_ =	shalt  }
0x74: {  	_ =	shalt  }
0x75: {  	_ =	shalt  }
0x76: {  	_ =	shalt  }
0x77: {  	_ =	shalt  }
0x78: {  	_ =	shalt  }
0x79: {  	_ =	shalt  }
0x7a: {  	_ =	shalt  }
0x7b: {  	_ =	shalt  }
0x7c: {  	_ =	shalt  }
0x7d: {  	_ =	shalt  }
0x7e: {  	_ =	shalt  }
0x7f: {  	_ =	shalt  }
0x80: {  	_ =	shalt  }
0x81: {  	_ =	shalt  }
0x82: {  	_ =	shalt  }
0x83: {  	_ =	shalt  }
0x84: {  	_ =	shalt  }
0x85: {  	_ =	shalt  }
0x86: {  	_ =	shalt  }
0x87: {  	_ =	shalt  }
.Lfunc_end0:
.L_simem_size_0:
called_computation_lowered:
.L_overlay_start_0:
0x88: {  	s2 =	sld [smem:$0x3FD9]  }
0x89: {  	s3 =	sld [smem:$0x3FFE];
	_ =	sdelay $0x1  }
0x8a: {  	s1 =	srdreg.scid  }
0x8b: {  	s0 =	sand.u32 $0x1, s1  }
0x8c: {  	s17 =	sshll.u32 s0, $0xA;
	s2 =	sadd.s32 s3, s2  }
0x8d: {  	s2 =	sadd.s32 s2, s17  }
0x8e: {  	[smem:$0x3FC0] =	sst s2  }
0x8f: {  	_ = 	snop  }
0x90: {  	s2 =	sld [smem:$0x3FC8];
	(tm) =	ssettm $0x1  }
0x91: {  	s18 =	sld [smem:$0x3FFB];
	_ =	sdelay $0x3  }
0x92: {  	_ =	strace s18  }
0x93: {  	s3 =	sld [smem:$0x3FFC];
	_ =	sdelay $0x3  }
0x94: {  	_ =	strace s3  }
0x95: {  	s3 =	sld [smem:$0x3FFD];
	_ =	sdelay $0x3  }
0x96: {  	_ =	strace s3  }
0x97: {  	_ =	strace $0x8FFFFFFF  }
0x98: {  	s19 =	sld [smem:$0x3FDB];
	_ =	sdelay $0x1  }
0x99: {  	s4 =	simm.s32 $_scs_section_size  }
0x9a: {  	s5 =	simm.s32 $_size__tile_overlayer_lowered;
	s6 =	simm.s32 $_tile_overlayer_lowered  }
0x9b: {  	s22 =	simm.s32 $0x1BFF;
	s21 =	sshll.u32 s6, $0x1;
	s3 =	sadd.s32 s4, s19  }
0x9c: {  	s7 =	simm.s32 $0x0;
	s20 =	sshll.u32 s5, $0x1;
	s5 =	sadd.s32 s21, s3  }
0x9d: {  	[timem:s7], [sflag:s22] =	dma.local [hbm:s5], s20  }
0x9e: {  	_ =	swait.ge [sflag:s22], s20  }
0x9f: {  	s4 =	ssub.s32 $0x0, s20;
	[sflag:s22] =	ssyncset.done $0x0  }
0xa0: {  	[sflag:s22] =	ssyncadd.s32 s4;
	_ =	sdelay $0x1  }
0xa1: {  	s23 =	simm.s32 $0x1B8B  }
0xa2: {  	_ =	swait.ge [sflag:s23], $0x1  }
0xa3: {  	[sflag:s23] =	ssyncset.done $0x0  }
0xa4: {  	s25 =	simm.s32 $0x1B8E;
	s24 =	sld [smem:$0x3FFE];
	[sflag:s23] =	ssyncadd.s32 $0xFFFFFFFF  }
0xa5: {  	s26 =	simm.s32 $execute0_lowered;
	[smem:$0x3FD2] =	sst s25  }
0xa6: {  	s5 =	sshll.u32 s26, $0x1;
	_ =	strace $0x80000046;
	[dreg:$0x1] =	wrdreg $0xFFFFFFFF  }
0xa7: {  	s28 =	simm.s32 $_size_execute0_lowered;
	s3 =	sadd.s32 s3, s5;
	[dreg:$0x0] =	wrdreg $0x0  }
0xa8: {  	s5 =	sshll.u32 s28, $0x1;
	[dreg:$0x2] =	wrdreg s3  }
0xa9: {  	[dreg:$0x3] =	wrdreg s5  }
0xaa: {  	[dreg:$0x4] =	wrdreg $0xC0  }
0xab: {  	_ =	task [dreg:s7], $0x5FFFF  }
0xac: {  	[dreg:$0x1] =	wrdreg $0xFFFFFFFF  }
0xad: {  	[dreg:$0x0] =	wrdreg $0x60  }
0xae: {  	[dreg:$0x2] =	wrdreg s24  }
0xaf: {  	[dreg:$0x3] =	wrdreg s2  }
0xb0: {  	[dreg:$0x4] =	wrdreg $0x9  }
0xb1: {  	_ =	task.clear_ibuf [dreg:s7], $0x5FFFF;
	_ =	strace $0x90000046  }
0xb2: {  	s29 =	simm.s32 $0x9;
	_ =	strace $0x80000048  }
0xb3: {  	_ =	swait.ge [sflag:s29], $0x1  }
0xb4: {  	[sflag:s29] =	ssyncadd.s32 $0xFFFFFFFF  }
0xb5: {  	_ =	strace $0x90000048  }
0xb6: {  	_ =	sfence  }
0xb7: {  	s30 =	sld [smem:$0x0];
	_ =	sdelay $0x2  }
0xb8: {  	s31 =	sshll.u32 s1, $0xD;
	s1 =	sshrl.u32 s1, $0x2  }
0xb9: {  	s3 =	sand.u32 $0x4000, s31;
	s1 =	sadd.s32 s1, s30  }
0xba: {  	s0 =	sor.u32 s3, s0;
	s1 =	sshll.u32 s1, $0x11  }
0xbb: {  	s0 =	sor.u32 s1, s0  }
0xbc: {  	s0 =	sadd.s32 $0x8F2B, s0  }
0xbd: {  	[sflag:s0] =	ssyncadd.remote.s32 $0x1  }
0xbe: {  	_ =	sfence.sel $0xFFFF  }
0xbf: {  	[dreg:$0x0] =	wrdreg $0xFFFFFFFF;
	(pc) =	sbr.abs _section_cstart, $3  }
0xc0: {  	[dreg:$0x1] =	wrdreg $0xFFFFFFFF  }
0xc1: {  	_ =	task.clear_ibuf [dreg:s7], $0x2FFFF;
	_ =	strace $0x9FFFFFFF  }
0xc2: {  	(tm) =	ssettm $0x7FFFFFFF  }
0xc3: {  	_ =	shalt  }
tec
execute0_lowered:
.L_overlay_start_1:
0x0: {  	(tag) =	ssettag $0x1  }
0x1: {  	s0 =	srdreg.scid;
	s1 =	rddreg [dreg:$0x0]  }
0x2: {  	s5 =	stileid.u32;
	s2 =	rddreg [dreg:$0x1];
	s14 =	simm.s32 $0x0  }
0x3: {  	s17 =	simm.s32 $0x80;
	s6 =	simm.s32 $0x4400;
	s28 =	simm.s32 $0x100  }
0x4: {  	s29 =	simm.s32 $0x180;
	s18 =	simm.s32 $0xC400;
	s30 =	simm.s32 $0x200  }
0x5: {  	s16 =	simm.s32 $0x10400;
	s31 =	simm.s32 $0x280;
	s12 =	simm.s32 $0x14400  }
0x6: {  	s10 =	simm.s32 $0x1;
	s7 =	simm.s32 $0x800;
	s8 =	simm.s32 $0x2  }
0x7: {  	p0 =	por $0x0, $0x0;
	s0 =	sand.u32 $0x1, s0;
	s3 =	sshll.u32 s5, $0x1  }
0x8: {  	s15 =	simm.s32 $0x9;
	s13 =	simm.s32 $0xA;
	s3 =	sor.u32 s0, s3  }
0x9: {  	s11 =	simm.s32 $0xB;
	s5 =	sshll.u32 s5, $0x4;
	s4 =	sshll.u32 s3, $0xF  }
0xa: {  	s9 =	simm.s32 $0xC;
	s3 =	sshll.u32 s3, $0x7;
	s4 =	sor.u32 s5, s4  }
0xb: {  	[smem:$0x7FF] =	sst s14;
	s3 =	sadd.s32 s3, s1;
	s4 =	sand.u32 $0x78080, s4  }
0xc: {  	_ =	strace $0x80000047;
	s3 =	sadd.s32 $0x1000, s3;
	s1 =	sadd.s32 s4, s1  }
0xd: {  	s0 =	ssub.s32 $0x2, s0;
	[dreg:$0x3] =	wrdreg s3;
	s19 =	sadd.s32 $0x2000, s1  }
0xe: {  	s25 =	sshrl.u32 s0, $0x1;
	s20 =	sadd.s32 $0x3000, s1;
	[dreg:$0x4] =	wrdreg s19  }
0xf: {  	s0 =	ssub.s32 s0, s25;
	s21 =	sadd.s32 $0x4000, s1;
	[dreg:$0x5] =	wrdreg s20  }
0x10: {  	s5 =	simm.s32 $0x400;
	s22 =	sadd.s32 $0x5000, s1;
	[dreg:$0x6] =	wrdreg s21  }
0x11: {  	s25 =	simm.s32 $0x300;
	s23 =	sadd.s32 $0x6000, s1;
	[dreg:$0x7] =	wrdreg s22  }
0x12: {  	s0 =	smax.u32 s0, $0x1;
	s24 =	sadd.s32 $0x7000, s1;
	[dreg:$0x8] =	wrdreg s23  }
0x13: {  	p1 =	sne.s32 s0, $0x1;
	s26 =	sadd.s32 $0x8000, s1;
	[dreg:$0x9] =	wrdreg s24  }
.Ltmp0:
0x14: {  	s1 =	sadd.s32 $0x9000, s1;
	[dreg:$0xa] =	wrdreg s26;
	(pc) =	sbr.rel @!p1 .LBB2_3-.Ltmp0, $4  }
0x15: {  	s3 =	simm.s32 $0x7;
	s4 =	simm.s32 $0x8;
	[dreg:$0xb] =	wrdreg s1  }
0x16: {  	s26 =	simm.s32 $0xD;
	s19 =	simm.s32 $0x8400;
	s24 =	simm.s32 $0x3  }
0x17: {  	s23 =	simm.s32 $0x380;
	s22 =	simm.s32 $0x4;
	s1 =	sadd.s32 $0xFFFFFFFF, s0  }
0x18: {  	s21 =	simm.s32 $0x5;
	s20 =	simm.s32 $0x6;
	s0 =	rddreg [dreg:$0x3]  }
0x19: {  	[tilespmem:s14], [sflag:$0xD] =	stream.linear.gather [hbm4b:s0+s14], $0x400, $0x38;
	[tilespmem:$0x18400] =	vst v63  }
0x1a: {  	_ =	swait.ge [sflag:s26], $0x400  }
0x1b: {  	[sflag:s26] =	ssyncset.done $0x0  }
0x1c: {  	[sflag:s26] =	ssyncadd.s32 $0xFFFFFC00  }
0x1d: {  	[tilespmem:s5], [sflag:$0x1] =	stream.indirect.gather [hbm4b:s2+s17], $0x80, s14, s17, $0xb8;
	[tilespmem:$0x18400] =	vst v63  }
0x1e: {  	_ = 	snop  }
0x1f: {  	[tilespmem:s6], [sflag:$0x2] =	stream.indirect.gather [hbm4b:s2+s17], $0x80, s17, s17, $0xb8;
	[tilespmem:$0x18400] =	vst v63  }
0x20: {  	_ = 	snop  }
0x21: {  	[tilespmem:s19], [sflag:$0x3] =	stream.indirect.gather [hbm4b:s2+s17], $0x80, s28, s17, $0xb8;
	[tilespmem:$0x18400] =	vst v63  }
0x22: {  	_ = 	snop  }
0x23: {  	[tilespmem:s18], [sflag:$0x4] =	stream.indirect.gather [hbm4b:s2+s17], $0x80, s29, s17, $0xb8;
	[tilespmem:$0x18400] =	vst v63  }
0x24: {  	_ = 	snop  }
0x25: {  	[tilespmem:s16], [sflag:$0x5] =	stream.indirect.gather [hbm4b:s2+s17], $0x80, s30, s17, $0xb8;
	[tilespmem:$0x18400] =	vst v63  }
0x26: {  	_ = 	snop  }
0x27: {  	[tilespmem:s12], [sflag:$0x6] =	stream.indirect.gather [hbm4b:s2+s17], $0x80, s31, s17, $0xb8;
	[tilespmem:$0x18400] =	vst v63  }
0x28: {  	_ =	swait.ge [sflag:s10], $0x4000  }
0x29: {  	[sflag:s10] =	ssyncset.done $0x0  }
0x2a: {  	s0 =	rddreg [dreg:$0x4];
	[sflag:s10] =	ssyncadd.s32 $0xFFFFC000  }
0x2b: {  	[hbm4b:s0+s5] =	stream.strided.scatter [tilespmem:s5], [sflag:$0x7], $0x4000, s7, s5, $0x38;
	[tilespmem:$0x18400] =	vst v63  }
0x2c: {  	_ =	swait.ge [sflag:s8], $0x4000  }
0x2d: {  	[sflag:s8] =	ssyncset.done $0x0  }
0x2e: {  	s0 =	rddreg [dreg:$0x5];
	[sflag:s8] =	ssyncadd.s32 $0xFFFFC000  }
0x2f: {  	[hbm4b:s0+s5] =	stream.strided.scatter [tilespmem:s6], [sflag:$0x8], $0x4000, s7, s5, $0x38;
	[tilespmem:$0x18400] =	vst v63  }
0x30: {  	_ =	swait.ge [sflag:s3], $0x4000  }
0x31: {  	[sflag:s3] =	ssyncset.done $0x0  }
0x32: {  	[sflag:s3] =	ssyncadd.s32 $0xFFFFC000  }
0x33: {  	[tilespmem:s5], [sflag:$0x1] =	stream.indirect.gather [hbm4b:s2+s17], $0x80, s25, s17, $0xb8;
	[tilespmem:$0x18400] =	vst v63  }
0x34: {  	_ =	swait.ge [sflag:s24], $0x4000  }
0x35: {  	[sflag:s24] =	ssyncset.done $0x0  }
0x36: {  	s0 =	rddreg [dreg:$0x6];
	[sflag:s24] =	ssyncadd.s32 $0xFFFFC000  }
0x37: {  	[hbm4b:s0+s5] =	stream.strided.scatter [tilespmem:s19], [sflag:$0x9], $0x4000, s7, s5, $0x38;
	[tilespmem:$0x18400] =	vst v63  }
0x38: {  	_ =	swait.ge [sflag:s4], $0x4000  }
0x39: {  	[sflag:s4] =	ssyncset.done $0x0  }
0x3a: {  	[sflag:s4] =	ssyncadd.s32 $0xFFFFC000  }
0x3b: {  	[tilespmem:s6], [sflag:$0x2] =	stream.indirect.gather [hbm4b:s2+s17], $0x80, s23, s17, $0xb8;
	[tilespmem:$0x18400] =	vst v63  }
0x3c: {  	_ =	swait.ge [sflag:s22], $0x4000  }
0x3d: {  	[sflag:s22] =	ssyncset.done $0x0  }
0x3e: {  	s0 =	rddreg [dreg:$0x7];
	[sflag:s22] =	ssyncadd.s32 $0xFFFFC000  }
0x3f: {  	[hbm4b:s0+s5] =	stream.strided.scatter [tilespmem:s18], [sflag:$0xA], $0x4000, s7, s5, $0x38;
	[tilespmem:$0x18400] =	vst v63  }
0x40: {  	_ =	swait.ge [sflag:s21], $0x4000  }
0x41: {  	[sflag:s21] =	ssyncset.done $0x0  }
0x42: {  	s0 =	rddreg [dreg:$0x8];
	[sflag:s21] =	ssyncadd.s32 $0xFFFFC000  }
0x43: {  	[hbm4b:s0+s5] =	stream.strided.scatter [tilespmem:s16], [sflag:$0xB], $0x4000, s7, s5, $0x38;
	[tilespmem:$0x18400] =	vst v63  }
0x44: {  	_ =	swait.ge [sflag:s20], $0x4000  }
0x45: {  	[sflag:s20] =	ssyncset.done $0x0  }
0x46: {  	s0 =	rddreg [dreg:$0x9];
	[sflag:s20] =	ssyncadd.s32 $0xFFFFC000  }
0x47: {  	[hbm4b:s0+s5] =	stream.strided.scatter [tilespmem:s12], [sflag:$0xC], $0x4000, s7, s5, $0x38;
	[tilespmem:$0x18400] =	vst v63  }
0x48: {  	_ =	swait.ge [sflag:s10], $0x4000  }
0x49: {  	[sflag:s10] =	ssyncset.done $0x0  }
0x4a: {  	s0 =	rddreg [dreg:$0xa];
	[sflag:s10] =	ssyncadd.s32 $0xFFFFC000  }
0x4b: {  	[hbm4b:s0+s5] =	stream.strided.scatter [tilespmem:s5], [sflag:$0x7], $0x4000, s7, s5, $0x38;
	[tilespmem:$0x18400] =	vst v63  }
0x4c: {  	_ =	swait.ge [sflag:s8], $0x4000  }
0x4d: {  	[sflag:s8] =	ssyncset.done $0x0  }
0x4e: {  	s0 =	rddreg [dreg:$0xb];
	[sflag:s8] =	ssyncadd.s32 $0xFFFFC000  }
0x4f: {  	[hbm4b:s0+s5] =	stream.strided.scatter [tilespmem:s6], [sflag:$0x8], $0x4000, s7, s5, $0x38;
	[tilespmem:$0x18400] =	vst v63  }
0x50: {  	_ =	swait.ge [sflag:s15], $0x4000  }
0x51: {  	[sflag:s15] =	ssyncset.done $0x0  }
0x52: {  	[sflag:s15] =	ssyncadd.s32 $0xFFFFC000  }
0x53: {  	_ =	swait.ge [sflag:s13], $0x4000  }
0x54: {  	[sflag:s13] =	ssyncset.done $0x0  }
0x55: {  	[sflag:s13] =	ssyncadd.s32 $0xFFFFC000  }
0x56: {  	_ =	swait.ge [sflag:s11], $0x4000  }
0x57: {  	[sflag:s11] =	ssyncset.done $0x0  }
0x58: {  	[sflag:s11] =	ssyncadd.s32 $0xFFFFC000  }
0x59: {  	_ =	swait.ge [sflag:s9], $0x4000  }
0x5a: {  	[sflag:s9] =	ssyncset.done $0x0  }
0x5b: {  	p1 =	sne.s32 s1, $0x1;
	[sflag:s9] =	ssyncadd.s32 $0xFFFFC000  }
.Ltmp1:
0x5c: {  	_ =	swait.ge [sflag:s3], $0x4000;
	(pc) =	sbr.rel @!p1 .LBB2_3-.Ltmp1, $4  }
0x5d: {  	[sflag:s3] =	ssyncset.done $0x0  }
0x5e: {  	[sflag:s3] =	ssyncadd.s32 $0xFFFFC000  }
0x5f: {  	s1 =	sadd.s32 $0xFFFFFFFF, s1;
	_ =	swait.ge [sflag:s4], $0x4000  }
0x60: {  	p0 =	por $0x1, $0x1;
	s0 =	rddreg [dreg:$0x3];
	[sflag:s4] =	ssyncset.done $0x0  }
.LBB2_2:
0x61: {  	[sflag:s4] =	ssyncadd.s32 $0xFFFFC000  }
0x62: {  	[tilespmem:s14], [sflag:$0xD] =	stream.linear.gather [hbm4b:s0+s14], $0x400, $0x38;
	[tilespmem:$0x18400] =	vst v63  }
0x63: {  	_ =	swait.ge [sflag:s26], $0x400  }
0x64: {  	[sflag:s26] =	ssyncset.done $0x0  }
0x65: {  	[sflag:s26] =	ssyncadd.s32 $0xFFFFFC00  }
0x66: {  	[tilespmem:s5], [sflag:$0x1] =	stream.indirect.gather [hbm4b:s2+s17], $0x80, s14, s17, $0xb8;
	[tilespmem:$0x18400] =	vst v63  }
0x67: {  	_ = 	snop  }
0x68: {  	[tilespmem:s6], [sflag:$0x2] =	stream.indirect.gather [hbm4b:s2+s17], $0x80, s17, s17, $0xb8;
	[tilespmem:$0x18400] =	vst v63  }
0x69: {  	_ = 	snop  }
0x6a: {  	[tilespmem:s19], [sflag:$0x3] =	stream.indirect.gather [hbm4b:s2+s17], $0x80, s28, s17, $0xb8;
	[tilespmem:$0x18400] =	vst v63  }
0x6b: {  	_ = 	snop  }
0x6c: {  	[tilespmem:s18], [sflag:$0x4] =	stream.indirect.gather [hbm4b:s2+s17], $0x80, s29, s17, $0xb8;
	[tilespmem:$0x18400] =	vst v63  }
0x6d: {  	_ = 	snop  }
0x6e: {  	[tilespmem:s16], [sflag:$0x5] =	stream.indirect.gather [hbm4b:s2+s17], $0x80, s30, s17, $0xb8;
	[tilespmem:$0x18400] =	vst v63  }
0x6f: {  	_ = 	snop  }
0x70: {  	[tilespmem:s12], [sflag:$0x6] =	stream.indirect.gather [hbm4b:s2+s17], $0x80, s31, s17, $0xb8;
	[tilespmem:$0x18400] =	vst v63  }
0x71: {  	_ =	swait.ge [sflag:s10], $0x4000  }
0x72: {  	[sflag:s10] =	ssyncset.done $0x0  }
0x73: {  	s0 =	rddreg [dreg:$0x4];
	[sflag:s10] =	ssyncadd.s32 $0xFFFFC000  }
0x74: {  	[hbm4b:s0+s5] =	stream.strided.scatter [tilespmem:s5], [sflag:$0x7], $0x4000, s7, s5, $0x38;
	[tilespmem:$0x18400] =	vst v63  }
0x75: {  	_ =	swait.ge [sflag:s8], $0x4000  }
0x76: {  	[sflag:s8] =	ssyncset.done $0x0  }
0x77: {  	s0 =	rddreg [dreg:$0x5];
	[sflag:s8] =	ssyncadd.s32 $0xFFFFC000  }
0x78: {  	[hbm4b:s0+s5] =	stream.strided.scatter [tilespmem:s6], [sflag:$0x8], $0x4000, s7, s5, $0x38;
	[tilespmem:$0x18400] =	vst v63  }
0x79: {  	_ =	swait.ge [sflag:s3], $0x4000  }
0x7a: {  	[sflag:s3] =	ssyncset.done $0x0  }
0x7b: {  	[sflag:s3] =	ssyncadd.s32 $0xFFFFC000  }
0x7c: {  	[tilespmem:s5], [sflag:$0x1] =	stream.indirect.gather [hbm4b:s2+s17], $0x80, s25, s17, $0xb8;
	[tilespmem:$0x18400] =	vst v63  }
0x7d: {  	_ =	swait.ge [sflag:s24], $0x4000  }
0x7e: {  	[sflag:s24] =	ssyncset.done $0x0  }
0x7f: {  	s0 =	rddreg [dreg:$0x6];
	[sflag:s24] =	ssyncadd.s32 $0xFFFFC000  }
0x80: {  	[hbm4b:s0+s5] =	stream.strided.scatter [tilespmem:s19], [sflag:$0x9], $0x4000, s7, s5, $0x38;
	[tilespmem:$0x18400] =	vst v63  }
0x81: {  	_ =	swait.ge [sflag:s4], $0x4000  }
0x82: {  	[sflag:s4] =	ssyncset.done $0x0  }
0x83: {  	[sflag:s4] =	ssyncadd.s32 $0xFFFFC000  }
0x84: {  	[tilespmem:s6], [sflag:$0x2] =	stream.indirect.gather [hbm4b:s2+s17], $0x80, s23, s17, $0xb8;
	[tilespmem:$0x18400] =	vst v63  }
0x85: {  	_ =	swait.ge [sflag:s22], $0x4000  }
0x86: {  	[sflag:s22] =	ssyncset.done $0x0  }
0x87: {  	s0 =	rddreg [dreg:$0x7];
	[sflag:s22] =	ssyncadd.s32 $0xFFFFC000  }
0x88: {  	[hbm4b:s0+s5] =	stream.strided.scatter [tilespmem:s18], [sflag:$0xA], $0x4000, s7, s5, $0x38;
	[tilespmem:$0x18400] =	vst v63  }
0x89: {  	_ =	swait.ge [sflag:s21], $0x4000  }
0x8a: {  	[sflag:s21] =	ssyncset.done $0x0  }
0x8b: {  	s0 =	rddreg [dreg:$0x8];
	[sflag:s21] =	ssyncadd.s32 $0xFFFFC000  }
0x8c: {  	[hbm4b:s0+s5] =	stream.strided.scatter [tilespmem:s16], [sflag:$0xB], $0x4000, s7, s5, $0x38;
	[tilespmem:$0x18400] =	vst v63  }
0x8d: {  	_ =	swait.ge [sflag:s20], $0x4000  }
0x8e: {  	[sflag:s20] =	ssyncset.done $0x0  }
0x8f: {  	s0 =	rddreg [dreg:$0x9];
	[sflag:s20] =	ssyncadd.s32 $0xFFFFC000  }
0x90: {  	[hbm4b:s0+s5] =	stream.strided.scatter [tilespmem:s12], [sflag:$0xC], $0x4000, s7, s5, $0x38;
	[tilespmem:$0x18400] =	vst v63  }
0x91: {  	_ =	swait.ge [sflag:s10], $0x4000  }
0x92: {  	[sflag:s10] =	ssyncset.done $0x0  }
0x93: {  	s0 =	rddreg [dreg:$0xa];
	[sflag:s10] =	ssyncadd.s32 $0xFFFFC000  }
0x94: {  	[hbm4b:s0+s5] =	stream.strided.scatter [tilespmem:s5], [sflag:$0x7], $0x4000, s7, s5, $0x38;
	[tilespmem:$0x18400] =	vst v63  }
0x95: {  	_ =	swait.ge [sflag:s8], $0x4000  }
0x96: {  	[sflag:s8] =	ssyncset.done $0x0  }
0x97: {  	s0 =	rddreg [dreg:$0xb];
	[sflag:s8] =	ssyncadd.s32 $0xFFFFC000  }
0x98: {  	[hbm4b:s0+s5] =	stream.strided.scatter [tilespmem:s6], [sflag:$0x8], $0x4000, s7, s5, $0x38;
	[tilespmem:$0x18400] =	vst v63  }
0x99: {  	_ =	swait.ge [sflag:s15], $0x4000  }
0x9a: {  	[sflag:s15] =	ssyncset.done $0x0  }
0x9b: {  	[sflag:s15] =	ssyncadd.s32 $0xFFFFC000  }
0x9c: {  	_ =	swait.ge [sflag:s13], $0x4000  }
0x9d: {  	[sflag:s13] =	ssyncset.done $0x0  }
0x9e: {  	[sflag:s13] =	ssyncadd.s32 $0xFFFFC000  }
0x9f: {  	_ =	swait.ge [sflag:s11], $0x4000  }
0xa0: {  	[sflag:s11] =	ssyncset.done $0x0  }
0xa1: {  	[sflag:s11] =	ssyncadd.s32 $0xFFFFC000  }
0xa2: {  	_ =	swait.ge [sflag:s9], $0x4000  }
0xa3: {  	[sflag:s9] =	ssyncset.done $0x0  }
0xa4: {  	p1 =	sne.s32 s1, $0x1;
	[sflag:s9] =	ssyncadd.s32 $0xFFFFC000  }
.Ltmp2:
0xa5: {  	_ =	swait.ge [sflag:s3], $0x4000;
	(pc) =	sbr.rel @p1 .LBB2_2-.Ltmp2, $4  }
0xa6: {  	[sflag:s3] =	ssyncset.done $0x0  }
0xa7: {  	[sflag:s3] =	ssyncadd.s32 $0xFFFFC000  }
0xa8: {  	_ =	swait.ge [sflag:s4], $0x4000  }
0xa9: {  	s1 =	sadd.s32 $0xFFFFFFFF, s1;
	s0 =	rddreg [dreg:$0x3];
	[sflag:s4] =	ssyncset.done $0x0  }
.LBB2_3:
0xaa: {  	[sflag:s4] =	ssyncadd.s32 @p0 $0xFFFFC000  }
0xab: {  	[tilespmem:s14], [sflag:$0xD] =	stream.linear.gather [hbm4b:s0+s14], $0x400, $0x38;
	[tilespmem:$0x18400] =	vst v63  }
0xac: {  	_ =	swait.ge [sflag:s26], $0x400  }
0xad: {  	[sflag:s26] =	ssyncset.done $0x0  }
0xae: {  	[sflag:s26] =	ssyncadd.s32 $0xFFFFFC00  }
0xaf: {  	[tilespmem:s5], [sflag:$0x1] =	stream.indirect.gather [hbm4b:s2+s17], $0x80, s14, s17, $0xb8;
	[tilespmem:$0x18400] =	vst v63  }
0xb0: {  	_ = 	snop  }
0xb1: {  	[tilespmem:s6], [sflag:$0x2] =	stream.indirect.gather [hbm4b:s2+s17], $0x80, s17, s17, $0xb8;
	[tilespmem:$0x18400] =	vst v63  }
0xb2: {  	_ = 	snop  }
0xb3: {  	[tilespmem:s19], [sflag:$0x3] =	stream.indirect.gather [hbm4b:s2+s17], $0x80, s28, s17, $0xb8;
	[tilespmem:$0x18400] =	vst v63  }
0xb4: {  	_ = 	snop  }
0xb5: {  	[tilespmem:s18], [sflag:$0x4] =	stream.indirect.gather [hbm4b:s2+s17], $0x80, s29, s17, $0xb8;
	[tilespmem:$0x18400] =	vst v63  }
0xb6: {  	_ = 	snop  }
0xb7: {  	[tilespmem:s16], [sflag:$0x5] =	stream.indirect.gather [hbm4b:s2+s17], $0x80, s30, s17, $0xb8;
	[tilespmem:$0x18400] =	vst v63  }
0xb8: {  	_ = 	snop  }
0xb9: {  	[tilespmem:s12], [sflag:$0x6] =	stream.indirect.gather [hbm4b:s2+s17], $0x80, s31, s17, $0xb8;
	[tilespmem:$0x18400] =	vst v63  }
0xba: {  	_ =	swait.ge [sflag:s10], $0x4000  }
0xbb: {  	[sflag:s10] =	ssyncset.done $0x0  }
0xbc: {  	s31 =	rddreg [dreg:$0x4];
	[sflag:s10] =	ssyncadd.s32 $0xFFFFC000  }
0xbd: {  	[hbm4b:s31+s5] =	stream.strided.scatter [tilespmem:s5], [sflag:$0x7], $0x4000, s7, s5, $0x38;
	[tilespmem:$0x18400] =	vst v63  }
0xbe: {  	_ =	swait.ge [sflag:s8], $0x4000  }
0xbf: {  	[sflag:s8] =	ssyncset.done $0x0  }
0xc0: {  	s1 =	rddreg [dreg:$0x5];
	[sflag:s8] =	ssyncadd.s32 $0xFFFFC000  }
0xc1: {  	[hbm4b:s1+s5] =	stream.strided.scatter [tilespmem:s6], [sflag:$0x8], $0x4000, s7, s5, $0x38;
	[tilespmem:$0x18400] =	vst v63  }
0xc2: {  	_ =	swait.ge [sflag:s3], $0x4000  }
0xc3: {  	[sflag:s3] =	ssyncset.done $0x0  }
0xc4: {  	[sflag:s3] =	ssyncadd.s32 $0xFFFFC000  }
0xc5: {  	[tilespmem:s5], [sflag:$0x1] =	stream.indirect.gather [hbm4b:s2+s17], $0x80, s25, s17, $0xb8;
	[tilespmem:$0x18400] =	vst v63  }
0xc6: {  	_ =	swait.ge [sflag:s24], $0x4000  }
0xc7: {  	[sflag:s24] =	ssyncset.done $0x0  }
0xc8: {  	s14 =	rddreg [dreg:$0x6];
	[sflag:s24] =	ssyncadd.s32 $0xFFFFC000  }
0xc9: {  	[hbm4b:s14+s5] =	stream.strided.scatter [tilespmem:s19], [sflag:$0x9], $0x4000, s7, s5, $0x38;
	[tilespmem:$0x18400] =	vst v63  }
0xca: {  	_ =	swait.ge [sflag:s4], $0x4000  }
0xcb: {  	[sflag:s4] =	ssyncset.done $0x0  }
0xcc: {  	[sflag:s4] =	ssyncadd.s32 $0xFFFFC000  }
0xcd: {  	[tilespmem:s6], [sflag:$0x2] =	stream.indirect.gather [hbm4b:s2+s17], $0x80, s23, s17, $0xb8;
	[tilespmem:$0x18400] =	vst v63  }
0xce: {  	_ =	swait.ge [sflag:s22], $0x4000  }
0xcf: {  	[sflag:s22] =	ssyncset.done $0x0  }
0xd0: {  	s25 =	rddreg [dreg:$0x7];
	[sflag:s22] =	ssyncadd.s32 $0xFFFFC000  }
0xd1: {  	[hbm4b:s25+s5] =	stream.strided.scatter [tilespmem:s18], [sflag:$0xA], $0x4000, s7, s5, $0x38;
	[tilespmem:$0x18400] =	vst v63  }
0xd2: {  	_ =	swait.ge [sflag:s21], $0x4000  }
0xd3: {  	[sflag:s21] =	ssyncset.done $0x0  }
0xd4: {  	s26 =	rddreg [dreg:$0x8];
	[sflag:s21] =	ssyncadd.s32 $0xFFFFC000  }
0xd5: {  	[hbm4b:s26+s5] =	stream.strided.scatter [tilespmem:s16], [sflag:$0xB], $0x4000, s7, s5, $0x38;
	[tilespmem:$0x18400] =	vst v63  }
0xd6: {  	_ =	swait.ge [sflag:s20], $0x4000  }
0xd7: {  	[sflag:s20] =	ssyncset.done $0x0  }
0xd8: {  	s28 =	rddreg [dreg:$0x9];
	[sflag:s20] =	ssyncadd.s32 $0xFFFFC000  }
0xd9: {  	[hbm4b:s28+s5] =	stream.strided.scatter [tilespmem:s12], [sflag:$0xC], $0x4000, s7, s5, $0x38;
	[tilespmem:$0x18400] =	vst v63  }
0xda: {  	_ =	swait.ge [sflag:s10], $0x4000  }
0xdb: {  	[sflag:s10] =	ssyncset.done $0x0  }
0xdc: {  	s29 =	rddreg [dreg:$0xa];
	[sflag:s10] =	ssyncadd.s32 $0xFFFFC000  }
0xdd: {  	[hbm4b:s29+s5] =	stream.strided.scatter [tilespmem:s5], [sflag:$0x7], $0x4000, s7, s5, $0x38;
	[tilespmem:$0x18400] =	vst v63  }
0xde: {  	_ =	swait.ge [sflag:s8], $0x4000  }
0xdf: {  	[sflag:s8] =	ssyncset.done $0x0  }
0xe0: {  	s30 =	rddreg [dreg:$0xb];
	[sflag:s8] =	ssyncadd.s32 $0xFFFFC000  }
0xe1: {  	[hbm4b:s30+s5] =	stream.strided.scatter [tilespmem:s6], [sflag:$0x8], $0x4000, s7, s5, $0x38;
	[tilespmem:$0x18400] =	vst v63  }
0xe2: {  	_ =	swait.ge [sflag:s15], $0x4000  }
0xe3: {  	[sflag:s15] =	ssyncset.done $0x0  }
0xe4: {  	[sflag:s15] =	ssyncadd.s32 $0xFFFFC000  }
0xe5: {  	_ =	swait.ge [sflag:s13], $0x4000  }
0xe6: {  	[sflag:s13] =	ssyncset.done $0x0  }
0xe7: {  	[sflag:s13] =	ssyncadd.s32 $0xFFFFC000  }
0xe8: {  	_ =	swait.ge [sflag:s11], $0x4000  }
0xe9: {  	[sflag:s11] =	ssyncset.done $0x0  }
0xea: {  	[sflag:s11] =	ssyncadd.s32 $0xFFFFC000  }
0xeb: {  	_ =	swait.ge [sflag:s9], $0x4000  }
0xec: {  	[sflag:s9] =	ssyncset.done $0x0  }
0xed: {  	[sflag:s9] =	ssyncadd.s32 $0xFFFFC000  }
0xee: {  	_ =	swait.ge [sflag:s3], $0x4000  }
0xef: {  	[sflag:s3] =	ssyncset.done $0x0  }
0xf0: {  	[sflag:s3] =	ssyncadd.s32 $0xFFFFC000  }
0xf1: {  	_ =	swait.ge [sflag:s4], $0x4000  }
0xf2: {  	[sflag:s4] =	ssyncset.done $0x0  }
0xf3: {  	[sflag:s4] =	ssyncadd.s32 $0xFFFFC000  }
0xf4: {  	_ =	sfence.sel $0x180000  }
0xf5: {  	[bflag:$0x0] =	sbarrier.arrive $0xFFFF  }
0xf6: {  	_ =	strace $0x90000047  }
0xf7: {  	s31 =	stileid.u32;
	[bflag:$0x2] =	sbarrier.arrive $0xFFFF  }
0xf8: {  	p0 =	sne.s32 s31, $0x0;
	s0 =	rddreg [dreg:$0x2]  }
0xf9: {  	s0 =	sadd.s32 @!p0 $0x100000, s0  }
0xfa: {  	[sflag:s0] =	ssyncadd.tile.s32 @!p0 $0x1;
	_ =	shalt  }
.Lfunc_end2:
_tile_overlayer_lowered:
.L_overlay_start_2:
0xfb: {  	(tag) =	ssettag $0x2  }
0xfc: {  	s0 =	rddreg [dreg:$0x0];
	s2 =	stileid.u32  }
0xfd: {  	s1 =	rddreg [dreg:$0x1];
	p0 =	sne.s32 s2, $0x0  }
0xfe: {  	s3 =	rddreg [dreg:$0x2];
	[bflag:$0x3] =	sbarrier.arrive $0xFFFF;
	s2 =	simm.s32 @!p0 $0x1C0D  }
0xff: {  	[timem:s3], [sflag:s2] =	dma.local @!p0 [hbm:s0], s1  }
0x100: {  	s0 =	simm.s32 @!p0 $0xD  }
0x101: {  	_ =	swait.ge @!p0 [sflag:s0], s1  }
0x102: {  	s1 =	ssub.s32 @!p0 $0x0, s1;
	[sflag:s0] =	ssyncset.done @!p0 $0x0  }
0x103: {  	[sflag:s0] =	ssyncadd.s32 @!p0 s1  }
0x104: {  	[bflag:$0x3] =	sbarrier.arrive $0xFFFF  }
0x105: {  	_ =	shalt  }

</sc_bundles>
